<compile_context>
chip_gen: v7x
topology: tpu7x:2x2x1
jax: 0.10.2.dev20260603
libtpu: 0.0.44.dev20260713+nightly
codegen_flags: <defaults>
</compile_context>

<pallas_src>
import jax
import jax.numpy as jnp
from jax import lax
from jax.experimental import pallas as pl
from jax.experimental.pallas import tpu as pltpu
from jax.experimental.pallas import tpu_sc as plsc

B = 16384
NC, NS, L = 2, 16, 16
NW = NC * NS
BPW = B // NW
CH = 512
RPW = BPW // CH
NU = 6

_mesh = plsc.VectorSubcoreMesh(core_axis_name="c", subcore_axis_name="s",
                               num_cores=NC, num_subcores=NS)


@pl.kernel(
    out_type=jax.ShapeDtypeStruct((B,), jnp.float32),
    mesh=_mesh,
    scratch_types=[
        pltpu.VMEM((NU * RPW, CH), jnp.int32),
        pltpu.VMEM((RPW, CH), jnp.int32),
        pltpu.VMEM((NU * RPW, CH), jnp.float32),
        pltpu.VMEM((RPW, CH), jnp.float32),
        pltpu.SemaphoreType.DMA,
        pltpu.VMEM((BPW,), jnp.float32),
        pltpu.SemaphoreType.DMA,
    ],
    compiler_params=pltpu.CompilerParams(use_tc_tiling_on_sc=False),
)
def _first_order_sc(uidx_hbm, midx_hbm, wu_hbm, wm_hbm, out_hbm,
                    uidx_v, midx_v, urows, mrows, idx_sem, out_v, sem):
    wid = lax.axis_index("s") * NC + lax.axis_index("c")
    base_r = wid * RPW

    stages = []
    for j in range(NU):
        stages.append(pltpu.async_copy(
            uidx_hbm.at[pl.ds(j * (B // CH) + base_r, RPW)],
            uidx_v.at[pl.ds(j * RPW, RPW)], idx_sem))
    stages.append(pltpu.async_copy(midx_hbm.at[pl.ds(base_r, RPW)], midx_v,
                                   idx_sem))
    for st in stages:
        st.wait()

    copies = []
    for t in range(NU * RPW):
        copies.append(pltpu.async_copy(wu_hbm.at[uidx_v.at[pl.ds(t, 1)]],
                                       urows.at[pl.ds(t, 1)], sem))
    for t in range(RPW):
        copies.append(pltpu.async_copy(wm_hbm.at[midx_v.at[pl.ds(t, 1)]],
                                       mrows.at[pl.ds(t, 1)], sem))
    for cp in copies:
        cp.wait()

    for l in range(BPW // L):
        row, col = l // (CH // L), (l % (CH // L)) * L
        acc = mrows[row, pl.ds(col, L)]
        for j in range(NU):
            acc = acc + urows[j * RPW + row, pl.ds(col, L)]
        out_v[pl.ds(l * L, L)] = acc

    pltpu.sync_copy(out_v, out_hbm.at[pl.ds(wid * BPW, BPW)])


def kernel(users, movies, gens, W_user, W_movie, W_genere):
    del W_genere
    uidx = jnp.concatenate(
        [users.astype(jnp.int32)[None, :], gens.astype(jnp.int32).T], axis=0)
    uidx = uidx.reshape(NU * B // CH, CH)
    midx = movies.astype(jnp.int32).reshape(B // CH, CH)
    return _first_order_sc(uidx, midx, W_user.T, W_movie.T)

# --- scband reference (transcript-rebuilt; emitter-appended) ---
"""Pipeline reference for scband-first-order-70720931496684 (READ-ONLY COPY).

The authoritative reference and input builder live on the scoring server;
editing this copy changes nothing except your own understanding.
"""

import jax, jax.numpy as jnp
import numpy as np

B = 16384
N_USERS = 1000000
N_MOVIES = 100000
N_GENERES = 25
GEN_LEN = 5


def setup_inputs(seed: int = 0) -> dict:
    key = jax.random.key(seed)
    k1, k2, k3, k4, k5, k6 = jax.random.split(key, 6)
    users = jax.random.randint(k1, (B,), 0, N_USERS, dtype=jnp.int64) if jax.config.jax_enable_x64 else jax.random.randint(k1, (B,), 0, N_USERS)
    movies = jax.random.randint(k2, (B,), 0, N_MOVIES)
    gens = jax.random.randint(k3, (B, GEN_LEN), 0, N_USERS)
    # Learned parameters sized per init_kwargs
    W_user = (jax.random.normal(k4, (N_USERS, 1), dtype=jnp.float32) * 0.01)
    W_movie = (jax.random.normal(k5, (N_MOVIES, 1), dtype=jnp.float32) * 0.01)
    W_genere = (jax.random.normal(k6, (N_GENERES + 1, 1), dtype=jnp.float32) * 0.01)
    W_genere = W_genere.at[0].set(0.0)  # padding_idx=0
    return {"users": users, "movies": movies, "gens": gens,
            "W_user": W_user, "W_movie": W_movie, "W_genere": W_genere}


def reference(users, movies, gens, W_user, W_movie, W_genere):
    # Faithful translation of FirstOrder.forward.
    # NOTE: original code looks up `gens` in bias_user (self.bias_user(gens)) --
    # we preserve that behavior exactly; W_genere is a declared parameter that
    # is unused in the forward pass, matching the torch module.
    b_u = jnp.take(W_user, users, axis=0)            # [B, 1]
    b_i = jnp.take(W_movie, movies, axis=0)          # [B, 1]
    b_g = jnp.take(W_user, gens, axis=0).sum(-2)     # [B, GEN_LEN, 1] -> [B, 1]
    return jnp.squeeze(b_u + b_i + b_g)              # [B]

if __name__ == "__main__":
    import jax
    _d = setup_inputs()
    print(jax.jit(kernel)(*tuple(_d.values())))

</pallas_src>

<mosaic_0001>
#map = affine_map<(d0, d1) -> (0, 0)>
#map1 = affine_map<(d0, d1) -> (0)>
module attributes {stable_mosaic.version = 14 : i64} {
  func.func @_first_order_sc(%arg0: i32, %arg1: i32, %arg2: memref<192x512xi32, #tpu.memory_space<hbm>>, %arg3: memref<32x512xi32, #tpu.memory_space<hbm>>, %arg4: memref<1x1000000xf32, #tpu.memory_space<hbm>>, %arg5: memref<1x100000xf32, #tpu.memory_space<hbm>>, %arg6: memref<16384xf32, #tpu.memory_space<hbm>>, %arg7: memref<6x512xi32, #tpu.memory_space<vmem>>, %arg8: memref<1x512xi32, #tpu.memory_space<vmem>>, %arg9: memref<6x512xf32, #tpu.memory_space<vmem>>, %arg10: memref<1x512xf32, #tpu.memory_space<vmem>>, %arg11: memref<!tpu.dma_semaphore, #tpu.memory_space<semaphore_mem>>, %arg12: memref<512xf32, #tpu.memory_space<vmem>>, %arg13: memref<!tpu.dma_semaphore, #tpu.memory_space<semaphore_mem>>) attributes {dimension_semantics = [#tpu.dimension_semantics<core_parallel>, #tpu.dimension_semantics<subcore_parallel>], iteration_bounds = array<i64: 2, 16>, scalar_prefetch = 0 : i64, scratch_operands = 7 : i64, tpu.core_type = #tpu.core_type<sc_vector_subcore>, window_params = [{transform_indices = #map}, {transform_indices = #map}, {transform_indices = #map}, {transform_indices = #map}, {transform_indices = #map1}]} {
    %mul3A = arith.constant 2 : i32
    %mul3A_0 = arith.muli %arg1, %mul3A : i32
    %add3A = arith.addi %mul3A_0, %arg0 : i32
    %mul3A_1 = arith.constant 1 : i32
    %mul3A_2 = arith.muli %add3A, %mul3A_1 : i32
    %add3A_3 = arith.constant 0 : i32
    %add3A_4 = arith.addi %add3A_3, %mul3A_2 : i32
    %dma_start3A = arith.constant 0 : i32
    %dma_start3A_5 = arith.constant 0 : i32
    %dma_start3A_6 = tpu.memref_slice %arg7[%dma_start3A, %dma_start3A_5] : memref<6x512xi32, #tpu.memory_space<vmem>> -> memref<1x512xi32, #tpu.memory_space<vmem>>
    %dma_start3A_7 = arith.constant 0 : i32
    %dma_start3A_8 = tpu.memref_slice %arg2[%add3A_4, %dma_start3A_7] : memref<192x512xi32, #tpu.memory_space<hbm>> -> memref<1x512xi32, #tpu.memory_space<hbm>>
    %dma_start3A_9 = arith.constant 0 : i32
    %dma_start3A_10 = arith.constant 0 : i32
    %dma_start3A_11 = tpu.memref_slice %arg7[%dma_start3A_9, %dma_start3A_10] : memref<6x512xi32, #tpu.memory_space<vmem>> -> memref<1x512xi32, #tpu.memory_space<vmem>>
    %dma_start3A_12 = arith.constant 0 : i32
    %dma_start3A_13 = tpu.memref_slice %arg2[%add3A_4, %dma_start3A_12] : memref<192x512xi32, #tpu.memory_space<hbm>> -> memref<1x512xi32, #tpu.memory_space<hbm>>
    tpu.enqueue_dma source(%dma_start3A_13 : memref<1x512xi32, #tpu.memory_space<hbm>>) target(%dma_start3A_11 : memref<1x512xi32, #tpu.memory_space<vmem>>) target_semaphore(%arg11 : memref<!tpu.dma_semaphore, #tpu.memory_space<semaphore_mem>>)
    %add3A_14 = arith.constant 32 : i32
    %add3A_15 = arith.addi %add3A_14, %mul3A_2 : i32
    %dma_start3A_16 = arith.constant 1 : i32
    %dma_start3A_17 = arith.constant 0 : i32
    %dma_start3A_18 = tpu.memref_slice %arg7[%dma_start3A_16, %dma_start3A_17] : memref<6x512xi32, #tpu.memory_space<vmem>> -> memref<1x512xi32, #tpu.memory_space<vmem>>
    %dma_start3A_19 = arith.constant 0 : i32
    %dma_start3A_20 = tpu.memref_slice %arg2[%add3A_15, %dma_start3A_19] : memref<192x512xi32, #tpu.memory_space<hbm>> -> memref<1x512xi32, #tpu.memory_space<hbm>>
    %dma_start3A_21 = arith.constant 1 : i32
    %dma_start3A_22 = arith.constant 0 : i32
    %dma_start3A_23 = tpu.memref_slice %arg7[%dma_start3A_21, %dma_start3A_22] : memref<6x512xi32, #tpu.memory_space<vmem>> -> memref<1x512xi32, #tpu.memory_space<vmem>>
    %dma_start3A_24 = arith.constant 0 : i32
    %dma_start3A_25 = tpu.memref_slice %arg2[%add3A_15, %dma_start3A_24] : memref<192x512xi32, #tpu.memory_space<hbm>> -> memref<1x512xi32, #tpu.memory_space<hbm>>
    tpu.enqueue_dma source(%dma_start3A_25 : memref<1x512xi32, #tpu.memory_space<hbm>>) target(%dma_start3A_23 : memref<1x512xi32, #tpu.memory_space<vmem>>) target_semaphore(%arg11 : memref<!tpu.dma_semaphore, #tpu.memory_space<semaphore_mem>>)
    %add3A_26 = arith.constant 64 : i32
    %add3A_27 = arith.addi %add3A_26, %mul3A_2 : i32
    %dma_start3A_28 = arith.constant 2 : i32
    %dma_start3A_29 = arith.constant 0 : i32
    %dma_start3A_30 = tpu.memref_slice %arg7[%dma_start3A_28, %dma_start3A_29] : memref<6x512xi32, #tpu.memory_space<vmem>> -> memref<1x512xi32, #tpu.memory_space<vmem>>
    %dma_start3A_31 = arith.constant 0 : i32
    %dma_start3A_32 = tpu.memref_slice %arg2[%add3A_27, %dma_start3A_31] : memref<192x512xi32, #tpu.memory_space<hbm>> -> memref<1x512xi32, #tpu.memory_space<hbm>>
    %dma_start3A_33 = arith.constant 2 : i32
    %dma_start3A_34 = arith.constant 0 : i32
    %dma_start3A_35 = tpu.memref_slice %arg7[%dma_start3A_33, %dma_start3A_34] : memref<6x512xi32, #tpu.memory_space<vmem>> -> memref<1x512xi32, #tpu.memory_space<vmem>>
    %dma_start3A_36 = arith.constant 0 : i32
    %dma_start3A_37 = tpu.memref_slice %arg2[%add3A_27, %dma_start3A_36] : memref<192x512xi32, #tpu.memory_space<hbm>> -> memref<1x512xi32, #tpu.memory_space<hbm>>
    tpu.enqueue_dma source(%dma_start3A_37 : memref<1x512xi32, #tpu.memory_space<hbm>>) target(%dma_start3A_35 : memref<1x512xi32, #tpu.memory_space<vmem>>) target_semaphore(%arg11 : memref<!tpu.dma_semaphore, #tpu.memory_space<semaphore_mem>>)
    %add3A_38 = arith.constant 96 : i32
    %add3A_39 = arith.addi %add3A_38, %mul3A_2 : i32
    %dma_start3A_40 = arith.constant 3 : i32
    %dma_start3A_41 = arith.constant 0 : i32
    %dma_start3A_42 = tpu.memref_slice %arg7[%dma_start3A_40, %dma_start3A_41] : memref<6x512xi32, #tpu.memory_space<vmem>> -> memref<1x512xi32, #tpu.memory_space<vmem>>
    %dma_start3A_43 = arith.constant 0 : i32
    %dma_start3A_44 = tpu.memref_slice %arg2[%add3A_39, %dma_start3A_43] : memref<192x512xi32, #tpu.memory_space<hbm>> -> memref<1x512xi32, #tpu.memory_space<hbm>>
    %dma_start3A_45 = arith.constant 3 : i32
    %dma_start3A_46 = arith.constant 0 : i32
    %dma_start3A_47 = tpu.memref_slice %arg7[%dma_start3A_45, %dma_start3A_46] : memref<6x512xi32, #tpu.memory_space<vmem>> -> memref<1x512xi32, #tpu.memory_space<vmem>>
    %dma_start3A_48 = arith.constant 0 : i32
    %dma_start3A_49 = tpu.memref_slice %arg2[%add3A_39, %dma_start3A_48] : memref<192x512xi32, #tpu.memory_space<hbm>> -> memref<1x512xi32, #tpu.memory_space<hbm>>
    tpu.enqueue_dma source(%dma_start3A_49 : memref<1x512xi32, #tpu.memory_space<hbm>>) target(%dma_start3A_47 : memref<1x512xi32, #tpu.memory_space<vmem>>) target_semaphore(%arg11 : memref<!tpu.dma_semaphore, #tpu.memory_space<semaphore_mem>>)
    %add3A_50 = arith.constant 128 : i32
    %add3A_51 = arith.addi %add3A_50, %mul3A_2 : i32
    %dma_start3A_52 = arith.constant 4 : i32
    %dma_start3A_53 = arith.constant 0 : i32
    %dma_start3A_54 = tpu.memref_slice %arg7[%dma_start3A_52, %dma_start3A_53] : memref<6x512xi32, #tpu.memory_space<vmem>> -> memref<1x512xi32, #tpu.memory_space<vmem>>
    %dma_start3A_55 = arith.constant 0 : i32
    %dma_start3A_56 = tpu.memref_slice %arg2[%add3A_51, %dma_start3A_55] : memref<192x512xi32, #tpu.memory_space<hbm>> -> memref<1x512xi32, #tpu.memory_space<hbm>>
    %dma_start3A_57 = arith.constant 4 : i32
    %dma_start3A_58 = arith.constant 0 : i32
    %dma_start3A_59 = tpu.memref_slice %arg7[%dma_start3A_57, %dma_start3A_58] : memref<6x512xi32, #tpu.memory_space<vmem>> -> memref<1x512xi32, #tpu.memory_space<vmem>>
    %dma_start3A_60 = arith.constant 0 : i32
    %dma_start3A_61 = tpu.memref_slice %arg2[%add3A_51, %dma_start3A_60] : memref<192x512xi32, #tpu.memory_space<hbm>> -> memref<1x512xi32, #tpu.memory_space<hbm>>
    tpu.enqueue_dma source(%dma_start3A_61 : memref<1x512xi32, #tpu.memory_space<hbm>>) target(%dma_start3A_59 : memref<1x512xi32, #tpu.memory_space<vmem>>) target_semaphore(%arg11 : memref<!tpu.dma_semaphore, #tpu.memory_space<semaphore_mem>>)
    %add3A_62 = arith.constant 160 : i32
    %add3A_63 = arith.addi %add3A_62, %mul3A_2 : i32
    %dma_start3A_64 = arith.constant 5 : i32
    %dma_start3A_65 = arith.constant 0 : i32
    %dma_start3A_66 = tpu.memref_slice %arg7[%dma_start3A_64, %dma_start3A_65] : memref<6x512xi32, #tpu.memory_space<vmem>> -> memref<1x512xi32, #tpu.memory_space<vmem>>
    %dma_start3A_67 = arith.constant 0 : i32
    %dma_start3A_68 = tpu.memref_slice %arg2[%add3A_63, %dma_start3A_67] : memref<192x512xi32, #tpu.memory_space<hbm>> -> memref<1x512xi32, #tpu.memory_space<hbm>>
    %dma_start3A_69 = arith.constant 5 : i32
    %dma_start3A_70 = arith.constant 0 : i32
    %dma_start3A_71 = tpu.memref_slice %arg7[%dma_start3A_69, %dma_start3A_70] : memref<6x512xi32, #tpu.memory_space<vmem>> -> memref<1x512xi32, #tpu.memory_space<vmem>>
    %dma_start3A_72 = arith.constant 0 : i32
    %dma_start3A_73 = tpu.memref_slice %arg2[%add3A_63, %dma_start3A_72] : memref<192x512xi32, #tpu.memory_space<hbm>> -> memref<1x512xi32, #tpu.memory_space<hbm>>
    tpu.enqueue_dma source(%dma_start3A_73 : memref<1x512xi32, #tpu.memory_space<hbm>>) target(%dma_start3A_71 : memref<1x512xi32, #tpu.memory_space<vmem>>) target_semaphore(%arg11 : memref<!tpu.dma_semaphore, #tpu.memory_space<semaphore_mem>>)
    %dma_start3A_74 = arith.constant 0 : i32
    %dma_start3A_75 = tpu.memref_slice %arg3[%mul3A_2, %dma_start3A_74] : memref<32x512xi32, #tpu.memory_space<hbm>> -> memref<1x512xi32, #tpu.memory_space<hbm>>
    %dma_start3A_76 = arith.constant 0 : i32
    %dma_start3A_77 = tpu.memref_slice %arg3[%mul3A_2, %dma_start3A_76] : memref<32x512xi32, #tpu.memory_space<hbm>> -> memref<1x512xi32, #tpu.memory_space<hbm>>
    tpu.enqueue_dma source(%dma_start3A_77 : memref<1x512xi32, #tpu.memory_space<hbm>>) target(%arg8 : memref<1x512xi32, #tpu.memory_space<vmem>>) target_semaphore(%arg11 : memref<!tpu.dma_semaphore, #tpu.memory_space<semaphore_mem>>)
    %dma_wait3A = arith.constant 0 : i32
    %dma_wait3A_78 = arith.constant 0 : i32
    %dma_wait3A_79 = tpu.memref_slice %arg7[%dma_wait3A, %dma_wait3A_78] : memref<6x512xi32, #tpu.memory_space<vmem>> -> memref<1x512xi32, #tpu.memory_space<vmem>>
    %dma_wait3A_80 = arith.constant 0 : i32
    %dma_wait3A_81 = tpu.memref_slice %arg2[%add3A_4, %dma_wait3A_80] : memref<192x512xi32, #tpu.memory_space<hbm>> -> memref<1x512xi32, #tpu.memory_space<hbm>>
    %dma_wait3A_82 = arith.constant 0 : i32
    %dma_wait3A_83 = arith.constant 0 : i32
    %dma_wait3A_84 = tpu.memref_slice %arg7[%dma_wait3A_82, %dma_wait3A_83] : memref<6x512xi32, #tpu.memory_space<vmem>> -> memref<1x512xi32, #tpu.memory_space<vmem>>
    %dma_wait3A_85 = arith.constant 0 : i32
    %dma_wait3A_86 = tpu.memref_slice %arg2[%add3A_4, %dma_wait3A_85] : memref<192x512xi32, #tpu.memory_space<hbm>> -> memref<1x512xi32, #tpu.memory_space<hbm>>
    tpu.wait_dma2 semaphore(%arg11 : memref<!tpu.dma_semaphore, #tpu.memory_space<semaphore_mem>>) src(%dma_wait3A_86 : memref<1x512xi32, #tpu.memory_space<hbm>>) dst(%dma_wait3A_84 : memref<1x512xi32, #tpu.memory_space<vmem>>)
    %dma_wait3A_87 = arith.constant 1 : i32
    %dma_wait3A_88 = arith.constant 0 : i32
    %dma_wait3A_89 = tpu.memref_slice %arg7[%dma_wait3A_87, %dma_wait3A_88] : memref<6x512xi32, #tpu.memory_space<vmem>> -> memref<1x512xi32, #tpu.memory_space<vmem>>
    %dma_wait3A_90 = arith.constant 0 : i32
    %dma_wait3A_91 = tpu.memref_slice %arg2[%add3A_15, %dma_wait3A_90] : memref<192x512xi32, #tpu.memory_space<hbm>> -> memref<1x512xi32, #tpu.memory_space<hbm>>
    %dma_wait3A_92 = arith.constant 1 : i32
    %dma_wait3A_93 = arith.constant 0 : i32
    %dma_wait3A_94 = tpu.memref_slice %arg7[%dma_wait3A_92, %dma_wait3A_93] : memref<6x512xi32, #tpu.memory_space<vmem>> -> memref<1x512xi32, #tpu.memory_space<vmem>>
    %dma_wait3A_95 = arith.constant 0 : i32
    %dma_wait3A_96 = tpu.memref_slice %arg2[%add3A_15, %dma_wait3A_95] : memref<192x512xi32, #tpu.memory_space<hbm>> -> memref<1x512xi32, #tpu.memory_space<hbm>>
    tpu.wait_dma2 semaphore(%arg11 : memref<!tpu.dma_semaphore, #tpu.memory_space<semaphore_mem>>) src(%dma_wait3A_96 : memref<1x512xi32, #tpu.memory_space<hbm>>) dst(%dma_wait3A_94 : memref<1x512xi32, #tpu.memory_space<vmem>>)
    %dma_wait3A_97 = arith.constant 2 : i32
    %dma_wait3A_98 = arith.constant 0 : i32
    %dma_wait3A_99 = tpu.memref_slice %arg7[%dma_wait3A_97, %dma_wait3A_98] : memref<6x512xi32, #tpu.memory_space<vmem>> -> memref<1x512xi32, #tpu.memory_space<vmem>>
    %dma_wait3A_100 = arith.constant 0 : i32
    %dma_wait3A_101 = tpu.memref_slice %arg2[%add3A_27, %dma_wait3A_100] : memref<192x512xi32, #tpu.memory_space<hbm>> -> memref<1x512xi32, #tpu.memory_space<hbm>>
    %dma_wait3A_102 = arith.constant 2 : i32
    %dma_wait3A_103 = arith.constant 0 : i32
    %dma_wait3A_104 = tpu.memref_slice %arg7[%dma_wait3A_102, %dma_wait3A_103] : memref<6x512xi32, #tpu.memory_space<vmem>> -> memref<1x512xi32, #tpu.memory_space<vmem>>
    %dma_wait3A_105 = arith.constant 0 : i32
    %dma_wait3A_106 = tpu.memref_slice %arg2[%add3A_27, %dma_wait3A_105] : memref<192x512xi32, #tpu.memory_space<hbm>> -> memref<1x512xi32, #tpu.memory_space<hbm>>
    tpu.wait_dma2 semaphore(%arg11 : memref<!tpu.dma_semaphore, #tpu.memory_space<semaphore_mem>>) src(%dma_wait3A_106 : memref<1x512xi32, #tpu.memory_space<hbm>>) dst(%dma_wait3A_104 : memref<1x512xi32, #tpu.memory_space<vmem>>)
    %dma_wait3A_107 = arith.constant 3 : i32
    %dma_wait3A_108 = arith.constant 0 : i32
    %dma_wait3A_109 = tpu.memref_slice %arg7[%dma_wait3A_107, %dma_wait3A_108] : memref<6x512xi32, #tpu.memory_space<vmem>> -> memref<1x512xi32, #tpu.memory_space<vmem>>
    %dma_wait3A_110 = arith.constant 0 : i32
    %dma_wait3A_111 = tpu.memref_slice %arg2[%add3A_39, %dma_wait3A_110] : memref<192x512xi32, #tpu.memory_space<hbm>> -> memref<1x512xi32, #tpu.memory_space<hbm>>
    %dma_wait3A_112 = arith.constant 3 : i32
    %dma_wait3A_113 = arith.constant 0 : i32
    %dma_wait3A_114 = tpu.memref_slice %arg7[%dma_wait3A_112, %dma_wait3A_113] : memref<6x512xi32, #tpu.memory_space<vmem>> -> memref<1x512xi32, #tpu.memory_space<vmem>>
    %dma_wait3A_115 = arith.constant 0 : i32
    %dma_wait3A_116 = tpu.memref_slice %arg2[%add3A_39, %dma_wait3A_115] : memref<192x512xi32, #tpu.memory_space<hbm>> -> memref<1x512xi32, #tpu.memory_space<hbm>>
    tpu.wait_dma2 semaphore(%arg11 : memref<!tpu.dma_semaphore, #tpu.memory_space<semaphore_mem>>) src(%dma_wait3A_116 : memref<1x512xi32, #tpu.memory_space<hbm>>) dst(%dma_wait3A_114 : memref<1x512xi32, #tpu.memory_space<vmem>>)
    %dma_wait3A_117 = arith.constant 4 : i32
    %dma_wait3A_118 = arith.constant 0 : i32
    %dma_wait3A_119 = tpu.memref_slice %arg7[%dma_wait3A_117, %dma_wait3A_118] : memref<6x512xi32, #tpu.memory_space<vmem>> -> memref<1x512xi32, #tpu.memory_space<vmem>>
    %dma_wait3A_120 = arith.constant 0 : i32
    %dma_wait3A_121 = tpu.memref_slice %arg2[%add3A_51, %dma_wait3A_120] : memref<192x512xi32, #tpu.memory_space<hbm>> -> memref<1x512xi32, #tpu.memory_space<hbm>>
    %dma_wait3A_122 = arith.constant 4 : i32
    %dma_wait3A_123 = arith.constant 0 : i32
    %dma_wait3A_124 = tpu.memref_slice %arg7[%dma_wait3A_122, %dma_wait3A_123] : memref<6x512xi32, #tpu.memory_space<vmem>> -> memref<1x512xi32, #tpu.memory_space<vmem>>
    %dma_wait3A_125 = arith.constant 0 : i32
    %dma_wait3A_126 = tpu.memref_slice %arg2[%add3A_51, %dma_wait3A_125] : memref<192x512xi32, #tpu.memory_space<hbm>> -> memref<1x512xi32, #tpu.memory_space<hbm>>
    tpu.wait_dma2 semaphore(%arg11 : memref<!tpu.dma_semaphore, #tpu.memory_space<semaphore_mem>>) src(%dma_wait3A_126 : memref<1x512xi32, #tpu.memory_space<hbm>>) dst(%dma_wait3A_124 : memref<1x512xi32, #tpu.memory_space<vmem>>)
    %dma_wait3A_127 = arith.constant 5 : i32
    %dma_wait3A_128 = arith.constant 0 : i32
    %dma_wait3A_129 = tpu.memref_slice %arg7[%dma_wait3A_127, %dma_wait3A_128] : memref<6x512xi32, #tpu.memory_space<vmem>> -> memref<1x512xi32, #tpu.memory_space<vmem>>
    %dma_wait3A_130 = arith.constant 0 : i32
    %dma_wait3A_131 = tpu.memref_slice %arg2[%add3A_63, %dma_wait3A_130] : memref<192x512xi32, #tpu.memory_space<hbm>> -> memref<1x512xi32, #tpu.memory_space<hbm>>
    %dma_wait3A_132 = arith.constant 5 : i32
    %dma_wait3A_133 = arith.constant 0 : i32
    %dma_wait3A_134 = tpu.memref_slice %arg7[%dma_wait3A_132, %dma_wait3A_133] : memref<6x512xi32, #tpu.memory_space<vmem>> -> memref<1x512xi32, #tpu.memory_space<vmem>>
    %dma_wait3A_135 = arith.constant 0 : i32
    %dma_wait3A_136 = tpu.memref_slice %arg2[%add3A_63, %dma_wait3A_135] : memref<192x512xi32, #tpu.memory_space<hbm>> -> memref<1x512xi32, #tpu.memory_space<hbm>>
    tpu.wait_dma2 semaphore(%arg11 : memref<!tpu.dma_semaphore, #tpu.memory_space<semaphore_mem>>) src(%dma_wait3A_136 : memref<1x512xi32, #tpu.memory_space<hbm>>) dst(%dma_wait3A_134 : memref<1x512xi32, #tpu.memory_space<vmem>>)
    %dma_wait3A_137 = arith.constant 0 : i32
    %dma_wait3A_138 = tpu.memref_slice %arg3[%mul3A_2, %dma_wait3A_137] : memref<32x512xi32, #tpu.memory_space<hbm>> -> memref<1x512xi32, #tpu.memory_space<hbm>>
    %dma_wait3A_139 = arith.constant 0 : i32
    %dma_wait3A_140 = tpu.memref_slice %arg3[%mul3A_2, %dma_wait3A_139] : memref<32x512xi32, #tpu.memory_space<hbm>> -> memref<1x512xi32, #tpu.memory_space<hbm>>
    tpu.wait_dma2 semaphore(%arg11 : memref<!tpu.dma_semaphore, #tpu.memory_space<semaphore_mem>>) src(%dma_wait3A_140 : memref<1x512xi32, #tpu.memory_space<hbm>>) dst(%arg8 : memref<1x512xi32, #tpu.memory_space<vmem>>)
    %dma_start3A_141 = arith.constant 0 : i32
    %dma_start3A_142 = arith.constant 0 : i32
    %dma_start3A_143 = tpu.memref_slice %arg9[%dma_start3A_141, %dma_start3A_142] : memref<6x512xf32, #tpu.memory_space<vmem>> -> memref<1x512xf32, #tpu.memory_space<vmem>>
    %dma_start3A_144 = arith.constant 0 : i32
    %dma_start3A_145 = arith.constant 0 : i32
    %dma_start3A_146 = tpu.memref_slice %arg7[%dma_start3A_144, %dma_start3A_145] : memref<6x512xi32, #tpu.memory_space<vmem>> -> memref<1x512xi32, #tpu.memory_space<vmem>>
    %dma_start3A_147 = arith.constant 0 : i32
    %dma_start3A_148 = arith.constant 0 : i32
    %dma_start3A_149 = tpu.memref_slice %arg4[%dma_start3A_147, %dma_start3A_148] : memref<1x1000000xf32, #tpu.memory_space<hbm>> -> memref<1x1000000xf32, #tpu.memory_space<hbm>>
    tpu.enqueue_indirect_dma source(%dma_start3A_149 : memref<1x1000000xf32, #tpu.memory_space<hbm>>) target(%dma_start3A_143 : memref<1x512xf32, #tpu.memory_space<vmem>>) offsets(%dma_start3A_146 : memref<1x512xi32, #tpu.memory_space<vmem>>) semaphore(%arg13 : memref<!tpu.dma_semaphore, #tpu.memory_space<semaphore_mem>>)
    %dma_start3A_150 = arith.constant 1 : i32
    %dma_start3A_151 = arith.constant 0 : i32
    %dma_start3A_152 = tpu.memref_slice %arg9[%dma_start3A_150, %dma_start3A_151] : memref<6x512xf32, #tpu.memory_space<vmem>> -> memref<1x512xf32, #tpu.memory_space<vmem>>
    %dma_start3A_153 = arith.constant 1 : i32
    %dma_start3A_154 = arith.constant 0 : i32
    %dma_start3A_155 = tpu.memref_slice %arg7[%dma_start3A_153, %dma_start3A_154] : memref<6x512xi32, #tpu.memory_space<vmem>> -> memref<1x512xi32, #tpu.memory_space<vmem>>
    %dma_start3A_156 = arith.constant 0 : i32
    %dma_start3A_157 = arith.constant 0 : i32
    %dma_start3A_158 = tpu.memref_slice %arg4[%dma_start3A_156, %dma_start3A_157] : memref<1x1000000xf32, #tpu.memory_space<hbm>> -> memref<1x1000000xf32, #tpu.memory_space<hbm>>
    tpu.enqueue_indirect_dma source(%dma_start3A_158 : memref<1x1000000xf32, #tpu.memory_space<hbm>>) target(%dma_start3A_152 : memref<1x512xf32, #tpu.memory_space<vmem>>) offsets(%dma_start3A_155 : memref<1x512xi32, #tpu.memory_space<vmem>>) semaphore(%arg13 : memref<!tpu.dma_semaphore, #tpu.memory_space<semaphore_mem>>)
    %dma_start3A_159 = arith.constant 2 : i32
    %dma_start3A_160 = arith.constant 0 : i32
    %dma_start3A_161 = tpu.memref_slice %arg9[%dma_start3A_159, %dma_start3A_160] : memref<6x512xf32, #tpu.memory_space<vmem>> -> memref<1x512xf32, #tpu.memory_space<vmem>>
    %dma_start3A_162 = arith.constant 2 : i32
    %dma_start3A_163 = arith.constant 0 : i32
    %dma_start3A_164 = tpu.memref_slice %arg7[%dma_start3A_162, %dma_start3A_163] : memref<6x512xi32, #tpu.memory_space<vmem>> -> memref<1x512xi32, #tpu.memory_space<vmem>>
    %dma_start3A_165 = arith.constant 0 : i32
    %dma_start3A_166 = arith.constant 0 : i32
    %dma_start3A_167 = tpu.memref_slice %arg4[%dma_start3A_165, %dma_start3A_166] : memref<1x1000000xf32, #tpu.memory_space<hbm>> -> memref<1x1000000xf32, #tpu.memory_space<hbm>>
    tpu.enqueue_indirect_dma source(%dma_start3A_167 : memref<1x1000000xf32, #tpu.memory_space<hbm>>) target(%dma_start3A_161 : memref<1x512xf32, #tpu.memory_space<vmem>>) offsets(%dma_start3A_164 : memref<1x512xi32, #tpu.memory_space<vmem>>) semaphore(%arg13 : memref<!tpu.dma_semaphore, #tpu.memory_space<semaphore_mem>>)
    %dma_start3A_168 = arith.constant 3 : i32
    %dma_start3A_169 = arith.constant 0 : i32
    %dma_start3A_170 = tpu.memref_slice %arg9[%dma_start3A_168, %dma_start3A_169] : memref<6x512xf32, #tpu.memory_space<vmem>> -> memref<1x512xf32, #tpu.memory_space<vmem>>
    %dma_start3A_171 = arith.constant 3 : i32
    %dma_start3A_172 = arith.constant 0 : i32
    %dma_start3A_173 = tpu.memref_slice %arg7[%dma_start3A_171, %dma_start3A_172] : memref<6x512xi32, #tpu.memory_space<vmem>> -> memref<1x512xi32, #tpu.memory_space<vmem>>
    %dma_start3A_174 = arith.constant 0 : i32
    %dma_start3A_175 = arith.constant 0 : i32
    %dma_start3A_176 = tpu.memref_slice %arg4[%dma_start3A_174, %dma_start3A_175] : memref<1x1000000xf32, #tpu.memory_space<hbm>> -> memref<1x1000000xf32, #tpu.memory_space<hbm>>
    tpu.enqueue_indirect_dma source(%dma_start3A_176 : memref<1x1000000xf32, #tpu.memory_space<hbm>>) target(%dma_start3A_170 : memref<1x512xf32, #tpu.memory_space<vmem>>) offsets(%dma_start3A_173 : memref<1x512xi32, #tpu.memory_space<vmem>>) semaphore(%arg13 : memref<!tpu.dma_semaphore, #tpu.memory_space<semaphore_mem>>)
    %dma_start3A_177 = arith.constant 4 : i32
    %dma_start3A_178 = arith.constant 0 : i32
    %dma_start3A_179 = tpu.memref_slice %arg9[%dma_start3A_177, %dma_start3A_178] : memref<6x512xf32, #tpu.memory_space<vmem>> -> memref<1x512xf32, #tpu.memory_space<vmem>>
    %dma_start3A_180 = arith.constant 4 : i32
    %dma_start3A_181 = arith.constant 0 : i32
    %dma_start3A_182 = tpu.memref_slice %arg7[%dma_start3A_180, %dma_start3A_181] : memref<6x512xi32, #tpu.memory_space<vmem>> -> memref<1x512xi32, #tpu.memory_space<vmem>>
    %dma_start3A_183 = arith.constant 0 : i32
    %dma_start3A_184 = arith.constant 0 : i32
    %dma_start3A_185 = tpu.memref_slice %arg4[%dma_start3A_183, %dma_start3A_184] : memref<1x1000000xf32, #tpu.memory_space<hbm>> -> memref<1x1000000xf32, #tpu.memory_space<hbm>>
    tpu.enqueue_indirect_dma source(%dma_start3A_185 : memref<1x1000000xf32, #tpu.memory_space<hbm>>) target(%dma_start3A_179 : memref<1x512xf32, #tpu.memory_space<vmem>>) offsets(%dma_start3A_182 : memref<1x512xi32, #tpu.memory_space<vmem>>) semaphore(%arg13 : memref<!tpu.dma_semaphore, #tpu.memory_space<semaphore_mem>>)
    %dma_start3A_186 = arith.constant 5 : i32
    %dma_start3A_187 = arith.constant 0 : i32
    %dma_start3A_188 = tpu.memref_slice %arg9[%dma_start3A_186, %dma_start3A_187] : memref<6x512xf32, #tpu.memory_space<vmem>> -> memref<1x512xf32, #tpu.memory_space<vmem>>
    %dma_start3A_189 = arith.constant 5 : i32
    %dma_start3A_190 = arith.constant 0 : i32
    %dma_start3A_191 = tpu.memref_slice %arg7[%dma_start3A_189, %dma_start3A_190] : memref<6x512xi32, #tpu.memory_space<vmem>> -> memref<1x512xi32, #tpu.memory_space<vmem>>
    %dma_start3A_192 = arith.constant 0 : i32
    %dma_start3A_193 = arith.constant 0 : i32
    %dma_start3A_194 = tpu.memref_slice %arg4[%dma_start3A_192, %dma_start3A_193] : memref<1x1000000xf32, #tpu.memory_space<hbm>> -> memref<1x1000000xf32, #tpu.memory_space<hbm>>
    tpu.enqueue_indirect_dma source(%dma_start3A_194 : memref<1x1000000xf32, #tpu.memory_space<hbm>>) target(%dma_start3A_188 : memref<1x512xf32, #tpu.memory_space<vmem>>) offsets(%dma_start3A_191 : memref<1x512xi32, #tpu.memory_space<vmem>>) semaphore(%arg13 : memref<!tpu.dma_semaphore, #tpu.memory_space<semaphore_mem>>)
    %dma_start3A_195 = arith.constant 0 : i32
    %dma_start3A_196 = arith.constant 0 : i32
    %dma_start3A_197 = tpu.memref_slice %arg10[%dma_start3A_195, %dma_start3A_196] : memref<1x512xf32, #tpu.memory_space<vmem>> -> memref<1x512xf32, #tpu.memory_space<vmem>>
    %dma_start3A_198 = arith.constant 0 : i32
    %dma_start3A_199 = arith.constant 0 : i32
    %dma_start3A_200 = tpu.memref_slice %arg8[%dma_start3A_198, %dma_start3A_199] : memref<1x512xi32, #tpu.memory_space<vmem>> -> memref<1x512xi32, #tpu.memory_space<vmem>>
    %dma_start3A_201 = arith.constant 0 : i32
    %dma_start3A_202 = arith.constant 0 : i32
    %dma_start3A_203 = tpu.memref_slice %arg5[%dma_start3A_201, %dma_start3A_202] : memref<1x100000xf32, #tpu.memory_space<hbm>> -> memref<1x100000xf32, #tpu.memory_space<hbm>>
    tpu.enqueue_indirect_dma source(%dma_start3A_203 : memref<1x100000xf32, #tpu.memory_space<hbm>>) target(%dma_start3A_197 : memref<1x512xf32, #tpu.memory_space<vmem>>) offsets(%dma_start3A_200 : memref<1x512xi32, #tpu.memory_space<vmem>>) semaphore(%arg13 : memref<!tpu.dma_semaphore, #tpu.memory_space<semaphore_mem>>)
    %dma_wait3A_204 = arith.constant 0 : i32
    %dma_wait3A_205 = arith.constant 0 : i32
    %dma_wait3A_206 = tpu.memref_slice %arg9[%dma_wait3A_204, %dma_wait3A_205] : memref<6x512xf32, #tpu.memory_space<vmem>> -> memref<1x512xf32, #tpu.memory_space<vmem>>
    %dma_wait3A_207 = arith.constant 0 : i32
    %dma_wait3A_208 = arith.constant 0 : i32
    %dma_wait3A_209 = tpu.memref_slice %arg7[%dma_wait3A_207, %dma_wait3A_208] : memref<6x512xi32, #tpu.memory_space<vmem>> -> memref<1x512xi32, #tpu.memory_space<vmem>>
    %dma_wait3A_210 = arith.constant 0 : i32
    %dma_wait3A_211 = arith.constant 0 : i32
    %dma_wait3A_212 = tpu.memref_slice %arg4[%dma_wait3A_210, %dma_wait3A_211] : memref<1x1000000xf32, #tpu.memory_space<hbm>> -> memref<1x1000000xf32, #tpu.memory_space<hbm>>
    tpu.wait_indirect_dma semaphore(%arg13 : memref<!tpu.dma_semaphore, #tpu.memory_space<semaphore_mem>>) src(%dma_wait3A_212 : memref<1x1000000xf32, #tpu.memory_space<hbm>>) dst(%dma_wait3A_206 : memref<1x512xf32, #tpu.memory_space<vmem>>)
    %dma_wait3A_213 = arith.constant 1 : i32
    %dma_wait3A_214 = arith.constant 0 : i32
    %dma_wait3A_215 = tpu.memref_slice %arg9[%dma_wait3A_213, %dma_wait3A_214] : memref<6x512xf32, #tpu.memory_space<vmem>> -> memref<1x512xf32, #tpu.memory_space<vmem>>
    %dma_wait3A_216 = arith.constant 1 : i32
    %dma_wait3A_217 = arith.constant 0 : i32
    %dma_wait3A_218 = tpu.memref_slice %arg7[%dma_wait3A_216, %dma_wait3A_217] : memref<6x512xi32, #tpu.memory_space<vmem>> -> memref<1x512xi32, #tpu.memory_space<vmem>>
    %dma_wait3A_219 = arith.constant 0 : i32
    %dma_wait3A_220 = arith.constant 0 : i32
    %dma_wait3A_221 = tpu.memref_slice %arg4[%dma_wait3A_219, %dma_wait3A_220] : memref<1x1000000xf32, #tpu.memory_space<hbm>> -> memref<1x1000000xf32, #tpu.memory_space<hbm>>
    tpu.wait_indirect_dma semaphore(%arg13 : memref<!tpu.dma_semaphore, #tpu.memory_space<semaphore_mem>>) src(%dma_wait3A_221 : memref<1x1000000xf32, #tpu.memory_space<hbm>>) dst(%dma_wait3A_215 : memref<1x512xf32, #tpu.memory_space<vmem>>)
    %dma_wait3A_222 = arith.constant 2 : i32
    %dma_wait3A_223 = arith.constant 0 : i32
    %dma_wait3A_224 = tpu.memref_slice %arg9[%dma_wait3A_222, %dma_wait3A_223] : memref<6x512xf32, #tpu.memory_space<vmem>> -> memref<1x512xf32, #tpu.memory_space<vmem>>
    %dma_wait3A_225 = arith.constant 2 : i32
    %dma_wait3A_226 = arith.constant 0 : i32
    %dma_wait3A_227 = tpu.memref_slice %arg7[%dma_wait3A_225, %dma_wait3A_226] : memref<6x512xi32, #tpu.memory_space<vmem>> -> memref<1x512xi32, #tpu.memory_space<vmem>>
    %dma_wait3A_228 = arith.constant 0 : i32
    %dma_wait3A_229 = arith.constant 0 : i32
    %dma_wait3A_230 = tpu.memref_slice %arg4[%dma_wait3A_228, %dma_wait3A_229] : memref<1x1000000xf32, #tpu.memory_space<hbm>> -> memref<1x1000000xf32, #tpu.memory_space<hbm>>
    tpu.wait_indirect_dma semaphore(%arg13 : memref<!tpu.dma_semaphore, #tpu.memory_space<semaphore_mem>>) src(%dma_wait3A_230 : memref<1x1000000xf32, #tpu.memory_space<hbm>>) dst(%dma_wait3A_224 : memref<1x512xf32, #tpu.memory_space<vmem>>)
    %dma_wait3A_231 = arith.constant 3 : i32
    %dma_wait3A_232 = arith.constant 0 : i32
    %dma_wait3A_233 = tpu.memref_slice %arg9[%dma_wait3A_231, %dma_wait3A_232] : memref<6x512xf32, #tpu.memory_space<vmem>> -> memref<1x512xf32, #tpu.memory_space<vmem>>
    %dma_wait3A_234 = arith.constant 3 : i32
    %dma_wait3A_235 = arith.constant 0 : i32
    %dma_wait3A_236 = tpu.memref_slice %arg7[%dma_wait3A_234, %dma_wait3A_235] : memref<6x512xi32, #tpu.memory_space<vmem>> -> memref<1x512xi32, #tpu.memory_space<vmem>>
    %dma_wait3A_237 = arith.constant 0 : i32
    %dma_wait3A_238 = arith.constant 0 : i32
    %dma_wait3A_239 = tpu.memref_slice %arg4[%dma_wait3A_237, %dma_wait3A_238] : memref<1x1000000xf32, #tpu.memory_space<hbm>> -> memref<1x1000000xf32, #tpu.memory_space<hbm>>
    tpu.wait_indirect_dma semaphore(%arg13 : memref<!tpu.dma_semaphore, #tpu.memory_space<semaphore_mem>>) src(%dma_wait3A_239 : memref<1x1000000xf32, #tpu.memory_space<hbm>>) dst(%dma_wait3A_233 : memref<1x512xf32, #tpu.memory_space<vmem>>)
    %dma_wait3A_240 = arith.constant 4 : i32
    %dma_wait3A_241 = arith.constant 0 : i32
    %dma_wait3A_242 = tpu.memref_slice %arg9[%dma_wait3A_240, %dma_wait3A_241] : memref<6x512xf32, #tpu.memory_space<vmem>> -> memref<1x512xf32, #tpu.memory_space<vmem>>
    %dma_wait3A_243 = arith.constant 4 : i32
    %dma_wait3A_244 = arith.constant 0 : i32
    %dma_wait3A_245 = tpu.memref_slice %arg7[%dma_wait3A_243, %dma_wait3A_244] : memref<6x512xi32, #tpu.memory_space<vmem>> -> memref<1x512xi32, #tpu.memory_space<vmem>>
    %dma_wait3A_246 = arith.constant 0 : i32
    %dma_wait3A_247 = arith.constant 0 : i32
    %dma_wait3A_248 = tpu.memref_slice %arg4[%dma_wait3A_246, %dma_wait3A_247] : memref<1x1000000xf32, #tpu.memory_space<hbm>> -> memref<1x1000000xf32, #tpu.memory_space<hbm>>
    tpu.wait_indirect_dma semaphore(%arg13 : memref<!tpu.dma_semaphore, #tpu.memory_space<semaphore_mem>>) src(%dma_wait3A_248 : memref<1x1000000xf32, #tpu.memory_space<hbm>>) dst(%dma_wait3A_242 : memref<1x512xf32, #tpu.memory_space<vmem>>)
    %dma_wait3A_249 = arith.constant 5 : i32
    %dma_wait3A_250 = arith.constant 0 : i32
    %dma_wait3A_251 = tpu.memref_slice %arg9[%dma_wait3A_249, %dma_wait3A_250] : memref<6x512xf32, #tpu.memory_space<vmem>> -> memref<1x512xf32, #tpu.memory_space<vmem>>
    %dma_wait3A_252 = arith.constant 5 : i32
    %dma_wait3A_253 = arith.constant 0 : i32
    %dma_wait3A_254 = tpu.memref_slice %arg7[%dma_wait3A_252, %dma_wait3A_253] : memref<6x512xi32, #tpu.memory_space<vmem>> -> memref<1x512xi32, #tpu.memory_space<vmem>>
    %dma_wait3A_255 = arith.constant 0 : i32
    %dma_wait3A_256 = arith.constant 0 : i32
    %dma_wait3A_257 = tpu.memref_slice %arg4[%dma_wait3A_255, %dma_wait3A_256] : memref<1x1000000xf32, #tpu.memory_space<hbm>> -> memref<1x1000000xf32, #tpu.memory_space<hbm>>
    tpu.wait_indirect_dma semaphore(%arg13 : memref<!tpu.dma_semaphore, #tpu.memory_space<semaphore_mem>>) src(%dma_wait3A_257 : memref<1x1000000xf32, #tpu.memory_space<hbm>>) dst(%dma_wait3A_251 : memref<1x512xf32, #tpu.memory_space<vmem>>)
    %dma_wait3A_258 = arith.constant 0 : i32
    %dma_wait3A_259 = arith.constant 0 : i32
    %dma_wait3A_260 = tpu.memref_slice %arg10[%dma_wait3A_258, %dma_wait3A_259] : memref<1x512xf32, #tpu.memory_space<vmem>> -> memref<1x512xf32, #tpu.memory_space<vmem>>
    %dma_wait3A_261 = arith.constant 0 : i32
    %dma_wait3A_262 = arith.constant 0 : i32
    %dma_wait3A_263 = tpu.memref_slice %arg8[%dma_wait3A_261, %dma_wait3A_262] : memref<1x512xi32, #tpu.memory_space<vmem>> -> memref<1x512xi32, #tpu.memory_space<vmem>>
    %dma_wait3A_264 = arith.constant 0 : i32
    %dma_wait3A_265 = arith.constant 0 : i32
    %dma_wait3A_266 = tpu.memref_slice %arg5[%dma_wait3A_264, %dma_wait3A_265] : memref<1x100000xf32, #tpu.memory_space<hbm>> -> memref<1x100000xf32, #tpu.memory_space<hbm>>
    tpu.wait_indirect_dma semaphore(%arg13 : memref<!tpu.dma_semaphore, #tpu.memory_space<semaphore_mem>>) src(%dma_wait3A_266 : memref<1x100000xf32, #tpu.memory_space<hbm>>) dst(%dma_wait3A_260 : memref<1x512xf32, #tpu.memory_space<vmem>>)
    %get3A = arith.constant 0 : i32
    %get3A_267 = arith.index_cast %get3A : i32 to index
    %get3A_268 = arith.constant 0 : index
    %get3A_269 = tpu.vector_load %arg10[%get3A_267, %get3A_268] {strides = array<i32>} : memref<1x512xf32, #tpu.memory_space<vmem>>, vector<1x16xf32>,
    %get3A_270 = vector.shape_cast %get3A_269 : vector<1x16xf32> to vector<16xf32>
    %get3A_271 = arith.constant 0 : i32
    %get3A_272 = arith.index_cast %get3A_271 : i32 to index
    %get3A_273 = arith.constant 0 : index
    %get3A_274 = tpu.vector_load %arg9[%get3A_272, %get3A_273] {strides = array<i32>} : memref<6x512xf32, #tpu.memory_space<vmem>>, vector<1x16xf32>,
    %get3A_275 = vector.shape_cast %get3A_274 : vector<1x16xf32> to vector<16xf32>
    %add3A_276 = arith.addf %get3A_270, %get3A_275 : vector<16xf32>
    %get3A_277 = arith.constant 1 : i32
    %get3A_278 = arith.index_cast %get3A_277 : i32 to index
    %get3A_279 = arith.constant 0 : index
    %get3A_280 = tpu.vector_load %arg9[%get3A_278, %get3A_279] {strides = array<i32>} : memref<6x512xf32, #tpu.memory_space<vmem>>, vector<1x16xf32>,
    %get3A_281 = vector.shape_cast %get3A_280 : vector<1x16xf32> to vector<16xf32>
    %add3A_282 = arith.addf %add3A_276, %get3A_281 : vector<16xf32>
    %get3A_283 = arith.constant 2 : i32
    %get3A_284 = arith.index_cast %get3A_283 : i32 to index
    %get3A_285 = arith.constant 0 : index
    %get3A_286 = tpu.vector_load %arg9[%get3A_284, %get3A_285] {strides = array<i32>} : memref<6x512xf32, #tpu.memory_space<vmem>>, vector<1x16xf32>,
    %get3A_287 = vector.shape_cast %get3A_286 : vector<1x16xf32> to vector<16xf32>
    %add3A_288 = arith.addf %add3A_282, %get3A_287 : vector<16xf32>
    %get3A_289 = arith.constant 3 : i32
    %get3A_290 = arith.index_cast %get3A_289 : i32 to index
    %get3A_291 = arith.constant 0 : index
    %get3A_292 = tpu.vector_load %arg9[%get3A_290, %get3A_291] {strides = array<i32>} : memref<6x512xf32, #tpu.memory_space<vmem>>, vector<1x16xf32>,
    %get3A_293 = vector.shape_cast %get3A_292 : vector<1x16xf32> to vector<16xf32>
    %add3A_294 = arith.addf %add3A_288, %get3A_293 : vector<16xf32>
    %get3A_295 = arith.constant 4 : i32
    %get3A_296 = arith.index_cast %get3A_295 : i32 to index
    %get3A_297 = arith.constant 0 : index
    %get3A_298 = tpu.vector_load %arg9[%get3A_296, %get3A_297] {strides = array<i32>} : memref<6x512xf32, #tpu.memory_space<vmem>>, vector<1x16xf32>,
    %get3A_299 = vector.shape_cast %get3A_298 : vector<1x16xf32> to vector<16xf32>
    %add3A_300 = arith.addf %add3A_294, %get3A_299 : vector<16xf32>
    %get3A_301 = arith.constant 5 : i32
    %get3A_302 = arith.index_cast %get3A_301 : i32 to index
    %get3A_303 = arith.constant 0 : index
    %get3A_304 = tpu.vector_load %arg9[%get3A_302, %get3A_303] {strides = array<i32>} : memref<6x512xf32, #tpu.memory_space<vmem>>, vector<1x16xf32>,
    %get3A_305 = vector.shape_cast %get3A_304 : vector<1x16xf32> to vector<16xf32>
    %add3A_306 = arith.addf %add3A_300, %get3A_305 : vector<16xf32>
    %swap3A = arith.constant 0 : index
    %swap3A_307 = tpu.vector_load %arg12[%swap3A] {strides = array<i32>} : memref<512xf32, #tpu.memory_space<vmem>>, vector<16xf32>,
    %swap3A_308 = vector.shape_cast %swap3A_307 : vector<16xf32> to vector<16xf32>
    %swap3A_309 = vector.shape_cast %add3A_306 : vector<16xf32> to vector<16xf32>
    tpu.vector_store %arg12[%swap3A], %swap3A_309 {strides = array<i32>} : memref<512xf32, #tpu.memory_space<vmem>>, vector<16xf32>,
    %get3A_310 = arith.constant 0 : i32
    %get3A_311 = arith.index_cast %get3A_310 : i32 to index
    %get3A_312 = arith.constant 16 : index
    %get3A_313 = tpu.vector_load %arg10[%get3A_311, %get3A_312] {strides = array<i32>} : memref<1x512xf32, #tpu.memory_space<vmem>>, vector<1x16xf32>,
    %get3A_314 = vector.shape_cast %get3A_313 : vector<1x16xf32> to vector<16xf32>
    %get3A_315 = arith.constant 0 : i32
    %get3A_316 = arith.index_cast %get3A_315 : i32 to index
    %get3A_317 = arith.constant 16 : index
    %get3A_318 = tpu.vector_load %arg9[%get3A_316, %get3A_317] {strides = array<i32>} : memref<6x512xf32, #tpu.memory_space<vmem>>, vector<1x16xf32>,
    %get3A_319 = vector.shape_cast %get3A_318 : vector<1x16xf32> to vector<16xf32>
    %add3A_320 = arith.addf %get3A_314, %get3A_319 : vector<16xf32>
    %get3A_321 = arith.constant 1 : i32
    %get3A_322 = arith.index_cast %get3A_321 : i32 to index
    %get3A_323 = arith.constant 16 : index
    %get3A_324 = tpu.vector_load %arg9[%get3A_322, %get3A_323] {strides = array<i32>} : memref<6x512xf32, #tpu.memory_space<vmem>>, vector<1x16xf32>,
    %get3A_325 = vector.shape_cast %get3A_324 : vector<1x16xf32> to vector<16xf32>
    %add3A_326 = arith.addf %add3A_320, %get3A_325 : vector<16xf32>
    %get3A_327 = arith.constant 2 : i32
    %get3A_328 = arith.index_cast %get3A_327 : i32 to index
    %get3A_329 = arith.constant 16 : index
    %get3A_330 = tpu.vector_load %arg9[%get3A_328, %get3A_329] {strides = array<i32>} : memref<6x512xf32, #tpu.memory_space<vmem>>, vector<1x16xf32>,
    %get3A_331 = vector.shape_cast %get3A_330 : vector<1x16xf32> to vector<16xf32>
    %add3A_332 = arith.addf %add3A_326, %get3A_331 : vector<16xf32>
    %get3A_333 = arith.constant 3 : i32
    %get3A_334 = arith.index_cast %get3A_333 : i32 to index
    %get3A_335 = arith.constant 16 : index
    %get3A_336 = tpu.vector_load %arg9[%get3A_334, %get3A_335] {strides = array<i32>} : memref<6x512xf32, #tpu.memory_space<vmem>>, vector<1x16xf32>,
    %get3A_337 = vector.shape_cast %get3A_336 : vector<1x16xf32> to vector<16xf32>
    %add3A_338 = arith.addf %add3A_332, %get3A_337 : vector<16xf32>
    %get3A_339 = arith.constant 4 : i32
    %get3A_340 = arith.index_cast %get3A_339 : i32 to index
    %get3A_341 = arith.constant 16 : index
    %get3A_342 = tpu.vector_load %arg9[%get3A_340, %get3A_341] {strides = array<i32>} : memref<6x512xf32, #tpu.memory_space<vmem>>, vector<1x16xf32>,
    %get3A_343 = vector.shape_cast %get3A_342 : vector<1x16xf32> to vector<16xf32>
    %add3A_344 = arith.addf %add3A_338, %get3A_343 : vector<16xf32>
    %get3A_345 = arith.constant 5 : i32
    %get3A_346 = arith.index_cast %get3A_345 : i32 to index
    %get3A_347 = arith.constant 16 : index
    %get3A_348 = tpu.vector_load %arg9[%get3A_346, %get3A_347] {strides = array<i32>} : memref<6x512xf32, #tpu.memory_space<vmem>>, vector<1x16xf32>,
    %get3A_349 = vector.shape_cast %get3A_348 : vector<1x16xf32> to vector<16xf32>
    %add3A_350 = arith.addf %add3A_344, %get3A_349 : vector<16xf32>
    %swap3A_351 = arith.constant 16 : index
    %swap3A_352 = tpu.vector_load %arg12[%swap3A_351] {strides = array<i32>} : memref<512xf32, #tpu.memory_space<vmem>>, vector<16xf32>,
    %swap3A_353 = vector.shape_cast %swap3A_352 : vector<16xf32> to vector<16xf32>
    %swap3A_354 = vector.shape_cast %add3A_350 : vector<16xf32> to vector<16xf32>
    tpu.vector_store %arg12[%swap3A_351], %swap3A_354 {strides = array<i32>} : memref<512xf32, #tpu.memory_space<vmem>>, vector<16xf32>,
    %get3A_355 = arith.constant 0 : i32
    %get3A_356 = arith.index_cast %get3A_355 : i32 to index
    %get3A_357 = arith.constant 32 : index
    %get3A_358 = tpu.vector_load %arg10[%get3A_356, %get3A_357] {strides = array<i32>} : memref<1x512xf32, #tpu.memory_space<vmem>>, vector<1x16xf32>,
    %get3A_359 = vector.shape_cast %get3A_358 : vector<1x16xf32> to vector<16xf32>
    %get3A_360 = arith.constant 0 : i32
    %get3A_361 = arith.index_cast %get3A_360 : i32 to index
    %get3A_362 = arith.constant 32 : index
    %get3A_363 = tpu.vector_load %arg9[%get3A_361, %get3A_362] {strides = array<i32>} : memref<6x512xf32, #tpu.memory_space<vmem>>, vector<1x16xf32>,
    %get3A_364 = vector.shape_cast %get3A_363 : vector<1x16xf32> to vector<16xf32>
    %add3A_365 = arith.addf %get3A_359, %get3A_364 : vector<16xf32>
    %get3A_366 = arith.constant 1 : i32
    %get3A_367 = arith.index_cast %get3A_366 : i32 to index
    %get3A_368 = arith.constant 32 : index
    %get3A_369 = tpu.vector_load %arg9[%get3A_367, %get3A_368] {strides = array<i32>} : memref<6x512xf32, #tpu.memory_space<vmem>>, vector<1x16xf32>,
    %get3A_370 = vector.shape_cast %get3A_369 : vector<1x16xf32> to vector<16xf32>
    %add3A_371 = arith.addf %add3A_365, %get3A_370 : vector<16xf32>
    %get3A_372 = arith.constant 2 : i32
    %get3A_373 = arith.index_cast %get3A_372 : i32 to index
    %get3A_374 = arith.constant 32 : index
    %get3A_375 = tpu.vector_load %arg9[%get3A_373, %get3A_374] {strides = array<i32>} : memref<6x512xf32, #tpu.memory_space<vmem>>, vector<1x16xf32>,
    %get3A_376 = vector.shape_cast %get3A_375 : vector<1x16xf32> to vector<16xf32>
    %add3A_377 = arith.addf %add3A_371, %get3A_376 : vector<16xf32>
    %get3A_378 = arith.constant 3 : i32
    %get3A_379 = arith.index_cast %get3A_378 : i32 to index
    %get3A_380 = arith.constant 32 : index
    %get3A_381 = tpu.vector_load %arg9[%get3A_379, %get3A_380] {strides = array<i32>} : memref<6x512xf32, #tpu.memory_space<vmem>>, vector<1x16xf32>,
    %get3A_382 = vector.shape_cast %get3A_381 : vector<1x16xf32> to vector<16xf32>
    %add3A_383 = arith.addf %add3A_377, %get3A_382 : vector<16xf32>
    %get3A_384 = arith.constant 4 : i32
    %get3A_385 = arith.index_cast %get3A_384 : i32 to index
    %get3A_386 = arith.constant 32 : index
    %get3A_387 = tpu.vector_load %arg9[%get3A_385, %get3A_386] {strides = array<i32>} : memref<6x512xf32, #tpu.memory_space<vmem>>, vector<1x16xf32>,
    %get3A_388 = vector.shape_cast %get3A_387 : vector<1x16xf32> to vector<16xf32>
    %add3A_389 = arith.addf %add3A_383, %get3A_388 : vector<16xf32>
    %get3A_390 = arith.constant 5 : i32
    %get3A_391 = arith.index_cast %get3A_390 : i32 to index
    %get3A_392 = arith.constant 32 : index
    %get3A_393 = tpu.vector_load %arg9[%get3A_391, %get3A_392] {strides = array<i32>} : memref<6x512xf32, #tpu.memory_space<vmem>>, vector<1x16xf32>,
    %get3A_394 = vector.shape_cast %get3A_393 : vector<1x16xf32> to vector<16xf32>
    %add3A_395 = arith.addf %add3A_389, %get3A_394 : vector<16xf32>
    %swap3A_396 = arith.constant 32 : index
    %swap3A_397 = tpu.vector_load %arg12[%swap3A_396] {strides = array<i32>} : memref<512xf32, #tpu.memory_space<vmem>>, vector<16xf32>,
    %swap3A_398 = vector.shape_cast %swap3A_397 : vector<16xf32> to vector<16xf32>
    %swap3A_399 = vector.shape_cast %add3A_395 : vector<16xf32> to vector<16xf32>
    tpu.vector_store %arg12[%swap3A_396], %swap3A_399 {strides = array<i32>} : memref<512xf32, #tpu.memory_space<vmem>>, vector<16xf32>,
    %get3A_400 = arith.constant 0 : i32
    %get3A_401 = arith.index_cast %get3A_400 : i32 to index
    %get3A_402 = arith.constant 48 : index
    %get3A_403 = tpu.vector_load %arg10[%get3A_401, %get3A_402] {strides = array<i32>} : memref<1x512xf32, #tpu.memory_space<vmem>>, vector<1x16xf32>,
    %get3A_404 = vector.shape_cast %get3A_403 : vector<1x16xf32> to vector<16xf32>
    %get3A_405 = arith.constant 0 : i32
    %get3A_406 = arith.index_cast %get3A_405 : i32 to index
    %get3A_407 = arith.constant 48 : index
    %get3A_408 = tpu.vector_load %arg9[%get3A_406, %get3A_407] {strides = array<i32>} : memref<6x512xf32, #tpu.memory_space<vmem>>, vector<1x16xf32>,
    %get3A_409 = vector.shape_cast %get3A_408 : vector<1x16xf32> to vector<16xf32>
    %add3A_410 = arith.addf %get3A_404, %get3A_409 : vector<16xf32>
    %get3A_411 = arith.constant 1 : i32
    %get3A_412 = arith.index_cast %get3A_411 : i32 to index
    %get3A_413 = arith.constant 48 : index
    %get3A_414 = tpu.vector_load %arg9[%get3A_412, %get3A_413] {strides = array<i32>} : memref<6x512xf32, #tpu.memory_space<vmem>>, vector<1x16xf32>,
    %get3A_415 = vector.shape_cast %get3A_414 : vector<1x16xf32> to vector<16xf32>
    %add3A_416 = arith.addf %add3A_410, %get3A_415 : vector<16xf32>
    %get3A_417 = arith.constant 2 : i32
    %get3A_418 = arith.index_cast %get3A_417 : i32 to index
    %get3A_419 = arith.constant 48 : index
    %get3A_420 = tpu.vector_load %arg9[%get3A_418, %get3A_419] {strides = array<i32>} : memref<6x512xf32, #tpu.memory_space<vmem>>, vector<1x16xf32>,
    %get3A_421 = vector.shape_cast %get3A_420 : vector<1x16xf32> to vector<16xf32>
    %add3A_422 = arith.addf %add3A_416, %get3A_421 : vector<16xf32>
    %get3A_423 = arith.constant 3 : i32
    %get3A_424 = arith.index_cast %get3A_423 : i32 to index
    %get3A_425 = arith.constant 48 : index
    %get3A_426 = tpu.vector_load %arg9[%get3A_424, %get3A_425] {strides = array<i32>} : memref<6x512xf32, #tpu.memory_space<vmem>>, vector<1x16xf32>,
    %get3A_427 = vector.shape_cast %get3A_426 : vector<1x16xf32> to vector<16xf32>
    %add3A_428 = arith.addf %add3A_422, %get3A_427 : vector<16xf32>
    %get3A_429 = arith.constant 4 : i32
    %get3A_430 = arith.index_cast %get3A_429 : i32 to index
    %get3A_431 = arith.constant 48 : index
    %get3A_432 = tpu.vector_load %arg9[%get3A_430, %get3A_431] {strides = array<i32>} : memref<6x512xf32, #tpu.memory_space<vmem>>, vector<1x16xf32>,
    %get3A_433 = vector.shape_cast %get3A_432 : vector<1x16xf32> to vector<16xf32>
    %add3A_434 = arith.addf %add3A_428, %get3A_433 : vector<16xf32>
    %get3A_435 = arith.constant 5 : i32
    %get3A_436 = arith.index_cast %get3A_435 : i32 to index
    %get3A_437 = arith.constant 48 : index
    %get3A_438 = tpu.vector_load %arg9[%get3A_436, %get3A_437] {strides = array<i32>} : memref<6x512xf32, #tpu.memory_space<vmem>>, vector<1x16xf32>,
    %get3A_439 = vector.shape_cast %get3A_438 : vector<1x16xf32> to vector<16xf32>
    %add3A_440 = arith.addf %add3A_434, %get3A_439 : vector<16xf32>
    %swap3A_441 = arith.constant 48 : index
    %swap3A_442 = tpu.vector_load %arg12[%swap3A_441] {strides = array<i32>} : memref<512xf32, #tpu.memory_space<vmem>>, vector<16xf32>,
    %swap3A_443 = vector.shape_cast %swap3A_442 : vector<16xf32> to vector<16xf32>
    %swap3A_444 = vector.shape_cast %add3A_440 : vector<16xf32> to vector<16xf32>
    tpu.vector_store %arg12[%swap3A_441], %swap3A_444 {strides = array<i32>} : memref<512xf32, #tpu.memory_space<vmem>>, vector<16xf32>,
    %get3A_445 = arith.constant 0 : i32
    %get3A_446 = arith.index_cast %get3A_445 : i32 to index
    %get3A_447 = arith.constant 64 : index
    %get3A_448 = tpu.vector_load %arg10[%get3A_446, %get3A_447] {strides = array<i32>} : memref<1x512xf32, #tpu.memory_space<vmem>>, vector<1x16xf32>,
    %get3A_449 = vector.shape_cast %get3A_448 : vector<1x16xf32> to vector<16xf32>
    %get3A_450 = arith.constant 0 : i32
    %get3A_451 = arith.index_cast %get3A_450 : i32 to index
    %get3A_452 = arith.constant 64 : index
    %get3A_453 = tpu.vector_load %arg9[%get3A_451, %get3A_452] {strides = array<i32>} : memref<6x512xf32, #tpu.memory_space<vmem>>, vector<1x16xf32>,
    %get3A_454 = vector.shape_cast %get3A_453 : vector<1x16xf32> to vector<16xf32>
    %add3A_455 = arith.addf %get3A_449, %get3A_454 : vector<16xf32>
    %get3A_456 = arith.constant 1 : i32
    %get3A_457 = arith.index_cast %get3A_456 : i32 to index
    %get3A_458 = arith.constant 64 : index
    %get3A_459 = tpu.vector_load %arg9[%get3A_457, %get3A_458] {strides = array<i32>} : memref<6x512xf32, #tpu.memory_space<vmem>>, vector<1x16xf32>,
    %get3A_460 = vector.shape_cast %get3A_459 : vector<1x16xf32> to vector<16xf32>
    %add3A_461 = arith.addf %add3A_455, %get3A_460 : vector<16xf32>
    %get3A_462 = arith.constant 2 : i32
    %get3A_463 = arith.index_cast %get3A_462 : i32 to index
    %get3A_464 = arith.constant 64 : index
    %get3A_465 = tpu.vector_load %arg9[%get3A_463, %get3A_464] {strides = array<i32>} : memref<6x512xf32, #tpu.memory_space<vmem>>, vector<1x16xf32>,
    %get3A_466 = vector.shape_cast %get3A_465 : vector<1x16xf32> to vector<16xf32>
    %add3A_467 = arith.addf %add3A_461, %get3A_466 : vector<16xf32>
    %get3A_468 = arith.constant 3 : i32
    %get3A_469 = arith.index_cast %get3A_468 : i32 to index
    %get3A_470 = arith.constant 64 : index
    %get3A_471 = tpu.vector_load %arg9[%get3A_469, %get3A_470] {strides = array<i32>} : memref<6x512xf32, #tpu.memory_space<vmem>>, vector<1x16xf32>,
    %get3A_472 = vector.shape_cast %get3A_471 : vector<1x16xf32> to vector<16xf32>
    %add3A_473 = arith.addf %add3A_467, %get3A_472 : vector<16xf32>
    %get3A_474 = arith.constant 4 : i32
    %get3A_475 = arith.index_cast %get3A_474 : i32 to index
    %get3A_476 = arith.constant 64 : index
    %get3A_477 = tpu.vector_load %arg9[%get3A_475, %get3A_476] {strides = array<i32>} : memref<6x512xf32, #tpu.memory_space<vmem>>, vector<1x16xf32>,
    %get3A_478 = vector.shape_cast %get3A_477 : vector<1x16xf32> to vector<16xf32>
    %add3A_479 = arith.addf %add3A_473, %get3A_478 : vector<16xf32>
    %get3A_480 = arith.constant 5 : i32
    %get3A_481 = arith.index_cast %get3A_480 : i32 to index
    %get3A_482 = arith.constant 64 : index
    %get3A_483 = tpu.vector_load %arg9[%get3A_481, %get3A_482] {strides = array<i32>} : memref<6x512xf32, #tpu.memory_space<vmem>>, vector<1x16xf32>,
    %get3A_484 = vector.shape_cast %get3A_483 : vector<1x16xf32> to vector<16xf32>
    %add3A_485 = arith.addf %add3A_479, %get3A_484 : vector<16xf32>
    %swap3A_486 = arith.constant 64 : index
    %swap3A_487 = tpu.vector_load %arg12[%swap3A_486] {strides = array<i32>} : memref<512xf32, #tpu.memory_space<vmem>>, vector<16xf32>,
    %swap3A_488 = vector.shape_cast %swap3A_487 : vector<16xf32> to vector<16xf32>
    %swap3A_489 = vector.shape_cast %add3A_485 : vector<16xf32> to vector<16xf32>
    tpu.vector_store %arg12[%swap3A_486], %swap3A_489 {strides = array<i32>} : memref<512xf32, #tpu.memory_space<vmem>>, vector<16xf32>,
    %get3A_490 = arith.constant 0 : i32
    %get3A_491 = arith.index_cast %get3A_490 : i32 to index
    %get3A_492 = arith.constant 80 : index
    %get3A_493 = tpu.vector_load %arg10[%get3A_491, %get3A_492] {strides = array<i32>} : memref<1x512xf32, #tpu.memory_space<vmem>>, vector<1x16xf32>,
    %get3A_494 = vector.shape_cast %get3A_493 : vector<1x16xf32> to vector<16xf32>
    %get3A_495 = arith.constant 0 : i32
    %get3A_496 = arith.index_cast %get3A_495 : i32 to index
    %get3A_497 = arith.constant 80 : index
    %get3A_498 = tpu.vector_load %arg9[%get3A_496, %get3A_497] {strides = array<i32>} : memref<6x512xf32, #tpu.memory_space<vmem>>, vector<1x16xf32>,
    %get3A_499 = vector.shape_cast %get3A_498 : vector<1x16xf32> to vector<16xf32>
    %add3A_500 = arith.addf %get3A_494, %get3A_499 : vector<16xf32>
    %get3A_501 = arith.constant 1 : i32
    %get3A_502 = arith.index_cast %get3A_501 : i32 to index
    %get3A_503 = arith.constant 80 : index
    %get3A_504 = tpu.vector_load %arg9[%get3A_502, %get3A_503] {strides = array<i32>} : memref<6x512xf32, #tpu.memory_space<vmem>>, vector<1x16xf32>,
    %get3A_505 = vector.shape_cast %get3A_504 : vector<1x16xf32> to vector<16xf32>
    %add3A_506 = arith.addf %add3A_500, %get3A_505 : vector<16xf32>
    %get3A_507 = arith.constant 2 : i32
    %get3A_508 = arith.index_cast %get3A_507 : i32 to index
    %get3A_509 = arith.constant 80 : index
    %get3A_510 = tpu.vector_load %arg9[%get3A_508, %get3A_509] {strides = array<i32>} : memref<6x512xf32, #tpu.memory_space<vmem>>, vector<1x16xf32>,
    %get3A_511 = vector.shape_cast %get3A_510 : vector<1x16xf32> to vector<16xf32>
    %add3A_512 = arith.addf %add3A_506, %get3A_511 : vector<16xf32>
    %get3A_513 = arith.constant 3 : i32
    %get3A_514 = arith.index_cast %get3A_513 : i32 to index
    %get3A_515 = arith.constant 80 : index
    %get3A_516 = tpu.vector_load %arg9[%get3A_514, %get3A_515] {strides = array<i32>} : memref<6x512xf32, #tpu.memory_space<vmem>>, vector<1x16xf32>,
    %get3A_517 = vector.shape_cast %get3A_516 : vector<1x16xf32> to vector<16xf32>
    %add3A_518 = arith.addf %add3A_512, %get3A_517 : vector<16xf32>
    %get3A_519 = arith.constant 4 : i32
    %get3A_520 = arith.index_cast %get3A_519 : i32 to index
    %get3A_521 = arith.constant 80 : index
    %get3A_522 = tpu.vector_load %arg9[%get3A_520, %get3A_521] {strides = array<i32>} : memref<6x512xf32, #tpu.memory_space<vmem>>, vector<1x16xf32>,
    %get3A_523 = vector.shape_cast %get3A_522 : vector<1x16xf32> to vector<16xf32>
    %add3A_524 = arith.addf %add3A_518, %get3A_523 : vector<16xf32>
    %get3A_525 = arith.constant 5 : i32
    %get3A_526 = arith.index_cast %get3A_525 : i32 to index
    %get3A_527 = arith.constant 80 : index
    %get3A_528 = tpu.vector_load %arg9[%get3A_526, %get3A_527] {strides = array<i32>} : memref<6x512xf32, #tpu.memory_space<vmem>>, vector<1x16xf32>,
    %get3A_529 = vector.shape_cast %get3A_528 : vector<1x16xf32> to vector<16xf32>
    %add3A_530 = arith.addf %add3A_524, %get3A_529 : vector<16xf32>
    %swap3A_531 = arith.constant 80 : index
    %swap3A_532 = tpu.vector_load %arg12[%swap3A_531] {strides = array<i32>} : memref<512xf32, #tpu.memory_space<vmem>>, vector<16xf32>,
    %swap3A_533 = vector.shape_cast %swap3A_532 : vector<16xf32> to vector<16xf32>
    %swap3A_534 = vector.shape_cast %add3A_530 : vector<16xf32> to vector<16xf32>
    tpu.vector_store %arg12[%swap3A_531], %swap3A_534 {strides = array<i32>} : memref<512xf32, #tpu.memory_space<vmem>>, vector<16xf32>,
    %get3A_535 = arith.constant 0 : i32
    %get3A_536 = arith.index_cast %get3A_535 : i32 to index
    %get3A_537 = arith.constant 96 : index
    %get3A_538 = tpu.vector_load %arg10[%get3A_536, %get3A_537] {strides = array<i32>} : memref<1x512xf32, #tpu.memory_space<vmem>>, vector<1x16xf32>,
    %get3A_539 = vector.shape_cast %get3A_538 : vector<1x16xf32> to vector<16xf32>
    %get3A_540 = arith.constant 0 : i32
    %get3A_541 = arith.index_cast %get3A_540 : i32 to index
    %get3A_542 = arith.constant 96 : index
    %get3A_543 = tpu.vector_load %arg9[%get3A_541, %get3A_542] {strides = array<i32>} : memref<6x512xf32, #tpu.memory_space<vmem>>, vector<1x16xf32>,
    %get3A_544 = vector.shape_cast %get3A_543 : vector<1x16xf32> to vector<16xf32>
    %add3A_545 = arith.addf %get3A_539, %get3A_544 : vector<16xf32>
    %get3A_546 = arith.constant 1 : i32
    %get3A_547 = arith.index_cast %get3A_546 : i32 to index
    %get3A_548 = arith.constant 96 : index
    %get3A_549 = tpu.vector_load %arg9[%get3A_547, %get3A_548] {strides = array<i32>} : memref<6x512xf32, #tpu.memory_space<vmem>>, vector<1x16xf32>,
    %get3A_550 = vector.shape_cast %get3A_549 : vector<1x16xf32> to vector<16xf32>
    %add3A_551 = arith.addf %add3A_545, %get3A_550 : vector<16xf32>
    %get3A_552 = arith.constant 2 : i32
    %get3A_553 = arith.index_cast %get3A_552 : i32 to index
    %get3A_554 = arith.constant 96 : index
    %get3A_555 = tpu.vector_load %arg9[%get3A_553, %get3A_554] {strides = array<i32>} : memref<6x512xf32, #tpu.memory_space<vmem>>, vector<1x16xf32>,
    %get3A_556 = vector.shape_cast %get3A_555 : vector<1x16xf32> to vector<16xf32>
    %add3A_557 = arith.addf %add3A_551, %get3A_556 : vector<16xf32>
    %get3A_558 = arith.constant 3 : i32
    %get3A_559 = arith.index_cast %get3A_558 : i32 to index
    %get3A_560 = arith.constant 96 : index
    %get3A_561 = tpu.vector_load %arg9[%get3A_559, %get3A_560] {strides = array<i32>} : memref<6x512xf32, #tpu.memory_space<vmem>>, vector<1x16xf32>,
    %get3A_562 = vector.shape_cast %get3A_561 : vector<1x16xf32> to vector<16xf32>
    %add3A_563 = arith.addf %add3A_557, %get3A_562 : vector<16xf32>
    %get3A_564 = arith.constant 4 : i32
    %get3A_565 = arith.index_cast %get3A_564 : i32 to index
    %get3A_566 = arith.constant 96 : index
    %get3A_567 = tpu.vector_load %arg9[%get3A_565, %get3A_566] {strides = array<i32>} : memref<6x512xf32, #tpu.memory_space<vmem>>, vector<1x16xf32>,
    %get3A_568 = vector.shape_cast %get3A_567 : vector<1x16xf32> to vector<16xf32>
    %add3A_569 = arith.addf %add3A_563, %get3A_568 : vector<16xf32>
    %get3A_570 = arith.constant 5 : i32
    %get3A_571 = arith.index_cast %get3A_570 : i32 to index
    %get3A_572 = arith.constant 96 : index
    %get3A_573 = tpu.vector_load %arg9[%get3A_571, %get3A_572] {strides = array<i32>} : memref<6x512xf32, #tpu.memory_space<vmem>>, vector<1x16xf32>,
    %get3A_574 = vector.shape_cast %get3A_573 : vector<1x16xf32> to vector<16xf32>
    %add3A_575 = arith.addf %add3A_569, %get3A_574 : vector<16xf32>
    %swap3A_576 = arith.constant 96 : index
    %swap3A_577 = tpu.vector_load %arg12[%swap3A_576] {strides = array<i32>} : memref<512xf32, #tpu.memory_space<vmem>>, vector<16xf32>,
    %swap3A_578 = vector.shape_cast %swap3A_577 : vector<16xf32> to vector<16xf32>
    %swap3A_579 = vector.shape_cast %add3A_575 : vector<16xf32> to vector<16xf32>
    tpu.vector_store %arg12[%swap3A_576], %swap3A_579 {strides = array<i32>} : memref<512xf32, #tpu.memory_space<vmem>>, vector<16xf32>,
    %get3A_580 = arith.constant 0 : i32
    %get3A_581 = arith.index_cast %get3A_580 : i32 to index
    %get3A_582 = arith.constant 112 : index
    %get3A_583 = tpu.vector_load %arg10[%get3A_581, %get3A_582] {strides = array<i32>} : memref<1x512xf32, #tpu.memory_space<vmem>>, vector<1x16xf32>,
    %get3A_584 = vector.shape_cast %get3A_583 : vector<1x16xf32> to vector<16xf32>
    %get3A_585 = arith.constant 0 : i32
    %get3A_586 = arith.index_cast %get3A_585 : i32 to index
    %get3A_587 = arith.constant 112 : index
    %get3A_588 = tpu.vector_load %arg9[%get3A_586, %get3A_587] {strides = array<i32>} : memref<6x512xf32, #tpu.memory_space<vmem>>, vector<1x16xf32>,
    %get3A_589 = vector.shape_cast %get3A_588 : vector<1x16xf32> to vector<16xf32>
    %add3A_590 = arith.addf %get3A_584, %get3A_589 : vector<16xf32>
    %get3A_591 = arith.constant 1 : i32
    %get3A_592 = arith.index_cast %get3A_591 : i32 to index
    %get3A_593 = arith.constant 112 : index
    %get3A_594 = tpu.vector_load %arg9[%get3A_592, %get3A_593] {strides = array<i32>} : memref<6x512xf32, #tpu.memory_space<vmem>>, vector<1x16xf32>,
    %get3A_595 = vector.shape_cast %get3A_594 : vector<1x16xf32> to vector<16xf32>
    %add3A_596 = arith.addf %add3A_590, %get3A_595 : vector<16xf32>
    %get3A_597 = arith.constant 2 : i32
    %get3A_598 = arith.index_cast %get3A_597 : i32 to index
    %get3A_599 = arith.constant 112 : index
    %get3A_600 = tpu.vector_load %arg9[%get3A_598, %get3A_599] {strides = array<i32>} : memref<6x512xf32, #tpu.memory_space<vmem>>, vector<1x16xf32>,
    %get3A_601 = vector.shape_cast %get3A_600 : vector<1x16xf32> to vector<16xf32>
    %add3A_602 = arith.addf %add3A_596, %get3A_601 : vector<16xf32>
    %get3A_603 = arith.constant 3 : i32
    %get3A_604 = arith.index_cast %get3A_603 : i32 to index
    %get3A_605 = arith.constant 112 : index
    %get3A_606 = tpu.vector_load %arg9[%get3A_604, %get3A_605] {strides = array<i32>} : memref<6x512xf32, #tpu.memory_space<vmem>>, vector<1x16xf32>,
    %get3A_607 = vector.shape_cast %get3A_606 : vector<1x16xf32> to vector<16xf32>
    %add3A_608 = arith.addf %add3A_602, %get3A_607 : vector<16xf32>
    %get3A_609 = arith.constant 4 : i32
    %get3A_610 = arith.index_cast %get3A_609 : i32 to index
    %get3A_611 = arith.constant 112 : index
    %get3A_612 = tpu.vector_load %arg9[%get3A_610, %get3A_611] {strides = array<i32>} : memref<6x512xf32, #tpu.memory_space<vmem>>, vector<1x16xf32>,
    %get3A_613 = vector.shape_cast %get3A_612 : vector<1x16xf32> to vector<16xf32>
    %add3A_614 = arith.addf %add3A_608, %get3A_613 : vector<16xf32>
    %get3A_615 = arith.constant 5 : i32
    %get3A_616 = arith.index_cast %get3A_615 : i32 to index
    %get3A_617 = arith.constant 112 : index
    %get3A_618 = tpu.vector_load %arg9[%get3A_616, %get3A_617] {strides = array<i32>} : memref<6x512xf32, #tpu.memory_space<vmem>>, vector<1x16xf32>,
    %get3A_619 = vector.shape_cast %get3A_618 : vector<1x16xf32> to vector<16xf32>
    %add3A_620 = arith.addf %add3A_614, %get3A_619 : vector<16xf32>
    %swap3A_621 = arith.constant 112 : index
    %swap3A_622 = tpu.vector_load %arg12[%swap3A_621] {strides = array<i32>} : memref<512xf32, #tpu.memory_space<vmem>>, vector<16xf32>,
    %swap3A_623 = vector.shape_cast %swap3A_622 : vector<16xf32> to vector<16xf32>
    %swap3A_624 = vector.shape_cast %add3A_620 : vector<16xf32> to vector<16xf32>
    tpu.vector_store %arg12[%swap3A_621], %swap3A_624 {strides = array<i32>} : memref<512xf32, #tpu.memory_space<vmem>>, vector<16xf32>,
    %get3A_625 = arith.constant 0 : i32
    %get3A_626 = arith.index_cast %get3A_625 : i32 to index
    %get3A_627 = arith.constant 128 : index
    %get3A_628 = tpu.vector_load %arg10[%get3A_626, %get3A_627] {strides = array<i32>} : memref<1x512xf32, #tpu.memory_space<vmem>>, vector<1x16xf32>,
    %get3A_629 = vector.shape_cast %get3A_628 : vector<1x16xf32> to vector<16xf32>
    %get3A_630 = arith.constant 0 : i32
    %get3A_631 = arith.index_cast %get3A_630 : i32 to index
    %get3A_632 = arith.constant 128 : index
    %get3A_633 = tpu.vector_load %arg9[%get3A_631, %get3A_632] {strides = array<i32>} : memref<6x512xf32, #tpu.memory_space<vmem>>, vector<1x16xf32>,
    %get3A_634 = vector.shape_cast %get3A_633 : vector<1x16xf32> to vector<16xf32>
    %add3A_635 = arith.addf %get3A_629, %get3A_634 : vector<16xf32>
    %get3A_636 = arith.constant 1 : i32
    %get3A_637 = arith.index_cast %get3A_636 : i32 to index
    %get3A_638 = arith.constant 128 : index
    %get3A_639 = tpu.vector_load %arg9[%get3A_637, %get3A_638] {strides = array<i32>} : memref<6x512xf32, #tpu.memory_space<vmem>>, vector<1x16xf32>,
    %get3A_640 = vector.shape_cast %get3A_639 : vector<1x16xf32> to vector<16xf32>
    %add3A_641 = arith.addf %add3A_635, %get3A_640 : vector<16xf32>
    %get3A_642 = arith.constant 2 : i32
    %get3A_643 = arith.index_cast %get3A_642 : i32 to index
    %get3A_644 = arith.constant 128 : index
    %get3A_645 = tpu.vector_load %arg9[%get3A_643, %get3A_644] {strides = array<i32>} : memref<6x512xf32, #tpu.memory_space<vmem>>, vector<1x16xf32>,
    %get3A_646 = vector.shape_cast %get3A_645 : vector<1x16xf32> to vector<16xf32>
    %add3A_647 = arith.addf %add3A_641, %get3A_646 : vector<16xf32>
    %get3A_648 = arith.constant 3 : i32
    %get3A_649 = arith.index_cast %get3A_648 : i32 to index
    %get3A_650 = arith.constant 128 : index
    %get3A_651 = tpu.vector_load %arg9[%get3A_649, %get3A_650] {strides = array<i32>} : memref<6x512xf32, #tpu.memory_space<vmem>>, vector<1x16xf32>,
    %get3A_652 = vector.shape_cast %get3A_651 : vector<1x16xf32> to vector<16xf32>
    %add3A_653 = arith.addf %add3A_647, %get3A_652 : vector<16xf32>
    %get3A_654 = arith.constant 4 : i32
    %get3A_655 = arith.index_cast %get3A_654 : i32 to index
    %get3A_656 = arith.constant 128 : index
    %get3A_657 = tpu.vector_load %arg9[%get3A_655, %get3A_656] {strides = array<i32>} : memref<6x512xf32, #tpu.memory_space<vmem>>, vector<1x16xf32>,
    %get3A_658 = vector.shape_cast %get3A_657 : vector<1x16xf32> to vector<16xf32>
    %add3A_659 = arith.addf %add3A_653, %get3A_658 : vector<16xf32>
    %get3A_660 = arith.constant 5 : i32
    %get3A_661 = arith.index_cast %get3A_660 : i32 to index
    %get3A_662 = arith.constant 128 : index
    %get3A_663 = tpu.vector_load %arg9[%get3A_661, %get3A_662] {strides = array<i32>} : memref<6x512xf32, #tpu.memory_space<vmem>>, vector<1x16xf32>,
    %get3A_664 = vector.shape_cast %get3A_663 : vector<1x16xf32> to vector<16xf32>
    %add3A_665 = arith.addf %add3A_659, %get3A_664 : vector<16xf32>
    %swap3A_666 = arith.constant 128 : index
    %swap3A_667 = tpu.vector_load %arg12[%swap3A_666] {strides = array<i32>} : memref<512xf32, #tpu.memory_space<vmem>>, vector<16xf32>,
    %swap3A_668 = vector.shape_cast %swap3A_667 : vector<16xf32> to vector<16xf32>
    %swap3A_669 = vector.shape_cast %add3A_665 : vector<16xf32> to vector<16xf32>
    tpu.vector_store %arg12[%swap3A_666], %swap3A_669 {strides = array<i32>} : memref<512xf32, #tpu.memory_space<vmem>>, vector<16xf32>,
    %get3A_670 = arith.constant 0 : i32
    %get3A_671 = arith.index_cast %get3A_670 : i32 to index
    %get3A_672 = arith.constant 144 : index
    %get3A_673 = tpu.vector_load %arg10[%get3A_671, %get3A_672] {strides = array<i32>} : memref<1x512xf32, #tpu.memory_space<vmem>>, vector<1x16xf32>,
    %get3A_674 = vector.shape_cast %get3A_673 : vector<1x16xf32> to vector<16xf32>
    %get3A_675 = arith.constant 0 : i32
    %get3A_676 = arith.index_cast %get3A_675 : i32 to index
    %get3A_677 = arith.constant 144 : index
    %get3A_678 = tpu.vector_load %arg9[%get3A_676, %get3A_677] {strides = array<i32>} : memref<6x512xf32, #tpu.memory_space<vmem>>, vector<1x16xf32>,
    %get3A_679 = vector.shape_cast %get3A_678 : vector<1x16xf32> to vector<16xf32>
    %add3A_680 = arith.addf %get3A_674, %get3A_679 : vector<16xf32>
    %get3A_681 = arith.constant 1 : i32
    %get3A_682 = arith.index_cast %get3A_681 : i32 to index
    %get3A_683 = arith.constant 144 : index
    %get3A_684 = tpu.vector_load %arg9[%get3A_682, %get3A_683] {strides = array<i32>} : memref<6x512xf32, #tpu.memory_space<vmem>>, vector<1x16xf32>,
    %get3A_685 = vector.shape_cast %get3A_684 : vector<1x16xf32> to vector<16xf32>
    %add3A_686 = arith.addf %add3A_680, %get3A_685 : vector<16xf32>
    %get3A_687 = arith.constant 2 : i32
    %get3A_688 = arith.index_cast %get3A_687 : i32 to index
    %get3A_689 = arith.constant 144 : index
    %get3A_690 = tpu.vector_load %arg9[%get3A_688, %get3A_689] {strides = array<i32>} : memref<6x512xf32, #tpu.memory_space<vmem>>, vector<1x16xf32>,
    %get3A_691 = vector.shape_cast %get3A_690 : vector<1x16xf32> to vector<16xf32>
    %add3A_692 = arith.addf %add3A_686, %get3A_691 : vector<16xf32>
    %get3A_693 = arith.constant 3 : i32
    %get3A_694 = arith.index_cast %get3A_693 : i32 to index
    %get3A_695 = arith.constant 144 : index
    %get3A_696 = tpu.vector_load %arg9[%get3A_694, %get3A_695] {strides = array<i32>} : memref<6x512xf32, #tpu.memory_space<vmem>>, vector<1x16xf32>,
    %get3A_697 = vector.shape_cast %get3A_696 : vector<1x16xf32> to vector<16xf32>
    %add3A_698 = arith.addf %add3A_692, %get3A_697 : vector<16xf32>
    %get3A_699 = arith.constant 4 : i32
    %get3A_700 = arith.index_cast %get3A_699 : i32 to index
    %get3A_701 = arith.constant 144 : index
    %get3A_702 = tpu.vector_load %arg9[%get3A_700, %get3A_701] {strides = array<i32>} : memref<6x512xf32, #tpu.memory_space<vmem>>, vector<1x16xf32>,
    %get3A_703 = vector.shape_cast %get3A_702 : vector<1x16xf32> to vector<16xf32>
    %add3A_704 = arith.addf %add3A_698, %get3A_703 : vector<16xf32>
    %get3A_705 = arith.constant 5 : i32
    %get3A_706 = arith.index_cast %get3A_705 : i32 to index
    %get3A_707 = arith.constant 144 : index
    %get3A_708 = tpu.vector_load %arg9[%get3A_706, %get3A_707] {strides = array<i32>} : memref<6x512xf32, #tpu.memory_space<vmem>>, vector<1x16xf32>,
    %get3A_709 = vector.shape_cast %get3A_708 : vector<1x16xf32> to vector<16xf32>
    %add3A_710 = arith.addf %add3A_704, %get3A_709 : vector<16xf32>
    %swap3A_711 = arith.constant 144 : index
    %swap3A_712 = tpu.vector_load %arg12[%swap3A_711] {strides = array<i32>} : memref<512xf32, #tpu.memory_space<vmem>>, vector<16xf32>,
    %swap3A_713 = vector.shape_cast %swap3A_712 : vector<16xf32> to vector<16xf32>
    %swap3A_714 = vector.shape_cast %add3A_710 : vector<16xf32> to vector<16xf32>
    tpu.vector_store %arg12[%swap3A_711], %swap3A_714 {strides = array<i32>} : memref<512xf32, #tpu.memory_space<vmem>>, vector<16xf32>,
    %get3A_715 = arith.constant 0 : i32
    %get3A_716 = arith.index_cast %get3A_715 : i32 to index
    %get3A_717 = arith.constant 160 : index
    %get3A_718 = tpu.vector_load %arg10[%get3A_716, %get3A_717] {strides = array<i32>} : memref<1x512xf32, #tpu.memory_space<vmem>>, vector<1x16xf32>,
    %get3A_719 = vector.shape_cast %get3A_718 : vector<1x16xf32> to vector<16xf32>
    %get3A_720 = arith.constant 0 : i32
    %get3A_721 = arith.index_cast %get3A_720 : i32 to index
    %get3A_722 = arith.constant 160 : index
    %get3A_723 = tpu.vector_load %arg9[%get3A_721, %get3A_722] {strides = array<i32>} : memref<6x512xf32, #tpu.memory_space<vmem>>, vector<1x16xf32>,
    %get3A_724 = vector.shape_cast %get3A_723 : vector<1x16xf32> to vector<16xf32>
    %add3A_725 = arith.addf %get3A_719, %get3A_724 : vector<16xf32>
    %get3A_726 = arith.constant 1 : i32
    %get3A_727 = arith.index_cast %get3A_726 : i32 to index
    %get3A_728 = arith.constant 160 : index
    %get3A_729 = tpu.vector_load %arg9[%get3A_727, %get3A_728] {strides = array<i32>} : memref<6x512xf32, #tpu.memory_space<vmem>>, vector<1x16xf32>,
    %get3A_730 = vector.shape_cast %get3A_729 : vector<1x16xf32> to vector<16xf32>
    %add3A_731 = arith.addf %add3A_725, %get3A_730 : vector<16xf32>
    %get3A_732 = arith.constant 2 : i32
    %get3A_733 = arith.index_cast %get3A_732 : i32 to index
    %get3A_734 = arith.constant 160 : index
    %get3A_735 = tpu.vector_load %arg9[%get3A_733, %get3A_734] {strides = array<i32>} : memref<6x512xf32, #tpu.memory_space<vmem>>, vector<1x16xf32>,
    %get3A_736 = vector.shape_cast %get3A_735 : vector<1x16xf32> to vector<16xf32>
    %add3A_737 = arith.addf %add3A_731, %get3A_736 : vector<16xf32>
    %get3A_738 = arith.constant 3 : i32
    %get3A_739 = arith.index_cast %get3A_738 : i32 to index
    %get3A_740 = arith.constant 160 : index
    %get3A_741 = tpu.vector_load %arg9[%get3A_739, %get3A_740] {strides = array<i32>} : memref<6x512xf32, #tpu.memory_space<vmem>>, vector<1x16xf32>,
    %get3A_742 = vector.shape_cast %get3A_741 : vector<1x16xf32> to vector<16xf32>
    %add3A_743 = arith.addf %add3A_737, %get3A_742 : vector<16xf32>
    %get3A_744 = arith.constant 4 : i32
    %get3A_745 = arith.index_cast %get3A_744 : i32 to index
    %get3A_746 = arith.constant 160 : index
    %get3A_747 = tpu.vector_load %arg9[%get3A_745, %get3A_746] {strides = array<i32>} : memref<6x512xf32, #tpu.memory_space<vmem>>, vector<1x16xf32>,
    %get3A_748 = vector.shape_cast %get3A_747 : vector<1x16xf32> to vector<16xf32>
    %add3A_749 = arith.addf %add3A_743, %get3A_748 : vector<16xf32>
    %get3A_750 = arith.constant 5 : i32
    %get3A_751 = arith.index_cast %get3A_750 : i32 to index
    %get3A_752 = arith.constant 160 : index
    %get3A_753 = tpu.vector_load %arg9[%get3A_751, %get3A_752] {strides = array<i32>} : memref<6x512xf32, #tpu.memory_space<vmem>>, vector<1x16xf32>,
    %get3A_754 = vector.shape_cast %get3A_753 : vector<1x16xf32> to vector<16xf32>
    %add3A_755 = arith.addf %add3A_749, %get3A_754 : vector<16xf32>
    %swap3A_756 = arith.constant 160 : index
    %swap3A_757 = tpu.vector_load %arg12[%swap3A_756] {strides = array<i32>} : memref<512xf32, #tpu.memory_space<vmem>>, vector<16xf32>,
    %swap3A_758 = vector.shape_cast %swap3A_757 : vector<16xf32> to vector<16xf32>
    %swap3A_759 = vector.shape_cast %add3A_755 : vector<16xf32> to vector<16xf32>
    tpu.vector_store %arg12[%swap3A_756], %swap3A_759 {strides = array<i32>} : memref<512xf32, #tpu.memory_space<vmem>>, vector<16xf32>,
    %get3A_760 = arith.constant 0 : i32
    %get3A_761 = arith.index_cast %get3A_760 : i32 to index
    %get3A_762 = arith.constant 176 : index
    %get3A_763 = tpu.vector_load %arg10[%get3A_761, %get3A_762] {strides = array<i32>} : memref<1x512xf32, #tpu.memory_space<vmem>>, vector<1x16xf32>,
    %get3A_764 = vector.shape_cast %get3A_763 : vector<1x16xf32> to vector<16xf32>
    %get3A_765 = arith.constant 0 : i32
    %get3A_766 = arith.index_cast %get3A_765 : i32 to index
    %get3A_767 = arith.constant 176 : index
    %get3A_768 = tpu.vector_load %arg9[%get3A_766, %get3A_767] {strides = array<i32>} : memref<6x512xf32, #tpu.memory_space<vmem>>, vector<1x16xf32>,
    %get3A_769 = vector.shape_cast %get3A_768 : vector<1x16xf32> to vector<16xf32>
    %add3A_770 = arith.addf %get3A_764, %get3A_769 : vector<16xf32>
    %get3A_771 = arith.constant 1 : i32
    %get3A_772 = arith.index_cast %get3A_771 : i32 to index
    %get3A_773 = arith.constant 176 : index
    %get3A_774 = tpu.vector_load %arg9[%get3A_772, %get3A_773] {strides = array<i32>} : memref<6x512xf32, #tpu.memory_space<vmem>>, vector<1x16xf32>,
    %get3A_775 = vector.shape_cast %get3A_774 : vector<1x16xf32> to vector<16xf32>
    %add3A_776 = arith.addf %add3A_770, %get3A_775 : vector<16xf32>
    %get3A_777 = arith.constant 2 : i32
    %get3A_778 = arith.index_cast %get3A_777 : i32 to index
    %get3A_779 = arith.constant 176 : index
    %get3A_780 = tpu.vector_load %arg9[%get3A_778, %get3A_779] {strides = array<i32>} : memref<6x512xf32, #tpu.memory_space<vmem>>, vector<1x16xf32>,
    %get3A_781 = vector.shape_cast %get3A_780 : vector<1x16xf32> to vector<16xf32>
    %add3A_782 = arith.addf %add3A_776, %get3A_781 : vector<16xf32>
    %get3A_783 = arith.constant 3 : i32
    %get3A_784 = arith.index_cast %get3A_783 : i32 to index
    %get3A_785 = arith.constant 176 : index
    %get3A_786 = tpu.vector_load %arg9[%get3A_784, %get3A_785] {strides = array<i32>} : memref<6x512xf32, #tpu.memory_space<vmem>>, vector<1x16xf32>,
    %get3A_787 = vector.shape_cast %get3A_786 : vector<1x16xf32> to vector<16xf32>
    %add3A_788 = arith.addf %add3A_782, %get3A_787 : vector<16xf32>
    %get3A_789 = arith.constant 4 : i32
    %get3A_790 = arith.index_cast %get3A_789 : i32 to index
    %get3A_791 = arith.constant 176 : index
    %get3A_792 = tpu.vector_load %arg9[%get3A_790, %get3A_791] {strides = array<i32>} : memref<6x512xf32, #tpu.memory_space<vmem>>, vector<1x16xf32>,
    %get3A_793 = vector.shape_cast %get3A_792 : vector<1x16xf32> to vector<16xf32>
    %add3A_794 = arith.addf %add3A_788, %get3A_793 : vector<16xf32>
    %get3A_795 = arith.constant 5 : i32
    %get3A_796 = arith.index_cast %get3A_795 : i32 to index
    %get3A_797 = arith.constant 176 : index
    %get3A_798 = tpu.vector_load %arg9[%get3A_796, %get3A_797] {strides = array<i32>} : memref<6x512xf32, #tpu.memory_space<vmem>>, vector<1x16xf32>,
    %get3A_799 = vector.shape_cast %get3A_798 : vector<1x16xf32> to vector<16xf32>
    %add3A_800 = arith.addf %add3A_794, %get3A_799 : vector<16xf32>
    %swap3A_801 = arith.constant 176 : index
    %swap3A_802 = tpu.vector_load %arg12[%swap3A_801] {strides = array<i32>} : memref<512xf32, #tpu.memory_space<vmem>>, vector<16xf32>,
    %swap3A_803 = vector.shape_cast %swap3A_802 : vector<16xf32> to vector<16xf32>
    %swap3A_804 = vector.shape_cast %add3A_800 : vector<16xf32> to vector<16xf32>
    tpu.vector_store %arg12[%swap3A_801], %swap3A_804 {strides = array<i32>} : memref<512xf32, #tpu.memory_space<vmem>>, vector<16xf32>,
    %get3A_805 = arith.constant 0 : i32
    %get3A_806 = arith.index_cast %get3A_805 : i32 to index
    %get3A_807 = arith.constant 192 : index
    %get3A_808 = tpu.vector_load %arg10[%get3A_806, %get3A_807] {strides = array<i32>} : memref<1x512xf32, #tpu.memory_space<vmem>>, vector<1x16xf32>,
    %get3A_809 = vector.shape_cast %get3A_808 : vector<1x16xf32> to vector<16xf32>
    %get3A_810 = arith.constant 0 : i32
    %get3A_811 = arith.index_cast %get3A_810 : i32 to index
    %get3A_812 = arith.constant 192 : index
    %get3A_813 = tpu.vector_load %arg9[%get3A_811, %get3A_812] {strides = array<i32>} : memref<6x512xf32, #tpu.memory_space<vmem>>, vector<1x16xf32>,
    %get3A_814 = vector.shape_cast %get3A_813 : vector<1x16xf32> to vector<16xf32>
    %add3A_815 = arith.addf %get3A_809, %get3A_814 : vector<16xf32>
    %get3A_816 = arith.constant 1 : i32
    %get3A_817 = arith.index_cast %get3A_816 : i32 to index
    %get3A_818 = arith.constant 192 : index
    %get3A_819 = tpu.vector_load %arg9[%get3A_817, %get3A_818] {strides = array<i32>} : memref<6x512xf32, #tpu.memory_space<vmem>>, vector<1x16xf32>,
    %get3A_820 = vector.shape_cast %get3A_819 : vector<1x16xf32> to vector<16xf32>
    %add3A_821 = arith.addf %add3A_815, %get3A_820 : vector<16xf32>
    %get3A_822 = arith.constant 2 : i32
    %get3A_823 = arith.index_cast %get3A_822 : i32 to index
    %get3A_824 = arith.constant 192 : index
    %get3A_825 = tpu.vector_load %arg9[%get3A_823, %get3A_824] {strides = array<i32>} : memref<6x512xf32, #tpu.memory_space<vmem>>, vector<1x16xf32>,
    %get3A_826 = vector.shape_cast %get3A_825 : vector<1x16xf32> to vector<16xf32>
    %add3A_827 = arith.addf %add3A_821, %get3A_826 : vector<16xf32>
    %get3A_828 = arith.constant 3 : i32
    %get3A_829 = arith.index_cast %get3A_828 : i32 to index
    %get3A_830 = arith.constant 192 : index
    %get3A_831 = tpu.vector_load %arg9[%get3A_829, %get3A_830] {strides = array<i32>} : memref<6x512xf32, #tpu.memory_space<vmem>>, vector<1x16xf32>,
    %get3A_832 = vector.shape_cast %get3A_831 : vector<1x16xf32> to vector<16xf32>
    %add3A_833 = arith.addf %add3A_827, %get3A_832 : vector<16xf32>
    %get3A_834 = arith.constant 4 : i32
    %get3A_835 = arith.index_cast %get3A_834 : i32 to index
    %get3A_836 = arith.constant 192 : index
    %get3A_837 = tpu.vector_load %arg9[%get3A_835, %get3A_836] {strides = array<i32>} : memref<6x512xf32, #tpu.memory_space<vmem>>, vector<1x16xf32>,
    %get3A_838 = vector.shape_cast %get3A_837 : vector<1x16xf32> to vector<16xf32>
    %add3A_839 = arith.addf %add3A_833, %get3A_838 : vector<16xf32>
    %get3A_840 = arith.constant 5 : i32
    %get3A_841 = arith.index_cast %get3A_840 : i32 to index
    %get3A_842 = arith.constant 192 : index
    %get3A_843 = tpu.vector_load %arg9[%get3A_841, %get3A_842] {strides = array<i32>} : memref<6x512xf32, #tpu.memory_space<vmem>>, vector<1x16xf32>,
    %get3A_844 = vector.shape_cast %get3A_843 : vector<1x16xf32> to vector<16xf32>
    %add3A_845 = arith.addf %add3A_839, %get3A_844 : vector<16xf32>
    %swap3A_846 = arith.constant 192 : index
    %swap3A_847 = tpu.vector_load %arg12[%swap3A_846] {strides = array<i32>} : memref<512xf32, #tpu.memory_space<vmem>>, vector<16xf32>,
    %swap3A_848 = vector.shape_cast %swap3A_847 : vector<16xf32> to vector<16xf32>
    %swap3A_849 = vector.shape_cast %add3A_845 : vector<16xf32> to vector<16xf32>
    tpu.vector_store %arg12[%swap3A_846], %swap3A_849 {strides = array<i32>} : memref<512xf32, #tpu.memory_space<vmem>>, vector<16xf32>,
    %get3A_850 = arith.constant 0 : i32
    %get3A_851 = arith.index_cast %get3A_850 : i32 to index
    %get3A_852 = arith.constant 208 : index
    %get3A_853 = tpu.vector_load %arg10[%get3A_851, %get3A_852] {strides = array<i32>} : memref<1x512xf32, #tpu.memory_space<vmem>>, vector<1x16xf32>,
    %get3A_854 = vector.shape_cast %get3A_853 : vector<1x16xf32> to vector<16xf32>
    %get3A_855 = arith.constant 0 : i32
    %get3A_856 = arith.index_cast %get3A_855 : i32 to index
    %get3A_857 = arith.constant 208 : index
    %get3A_858 = tpu.vector_load %arg9[%get3A_856, %get3A_857] {strides = array<i32>} : memref<6x512xf32, #tpu.memory_space<vmem>>, vector<1x16xf32>,
    %get3A_859 = vector.shape_cast %get3A_858 : vector<1x16xf32> to vector<16xf32>
    %add3A_860 = arith.addf %get3A_854, %get3A_859 : vector<16xf32>
    %get3A_861 = arith.constant 1 : i32
    %get3A_862 = arith.index_cast %get3A_861 : i32 to index
    %get3A_863 = arith.constant 208 : index
    %get3A_864 = tpu.vector_load %arg9[%get3A_862, %get3A_863] {strides = array<i32>} : memref<6x512xf32, #tpu.memory_space<vmem>>, vector<1x16xf32>,
    %get3A_865 = vector.shape_cast %get3A_864 : vector<1x16xf32> to vector<16xf32>
    %add3A_866 = arith.addf %add3A_860, %get3A_865 : vector<16xf32>
    %get3A_867 = arith.constant 2 : i32
    %get3A_868 = arith.index_cast %get3A_867 : i32 to index
    %get3A_869 = arith.constant 208 : index
    %get3A_870 = tpu.vector_load %arg9[%get3A_868, %get3A_869] {strides = array<i32>} : memref<6x512xf32, #tpu.memory_space<vmem>>, vector<1x16xf32>,
    %get3A_871 = vector.shape_cast %get3A_870 : vector<1x16xf32> to vector<16xf32>
    %add3A_872 = arith.addf %add3A_866, %get3A_871 : vector<16xf32>
    %get3A_873 = arith.constant 3 : i32
    %get3A_874 = arith.index_cast %get3A_873 : i32 to index
    %get3A_875 = arith.constant 208 : index
    %get3A_876 = tpu.vector_load %arg9[%get3A_874, %get3A_875] {strides = array<i32>} : memref<6x512xf32, #tpu.memory_space<vmem>>, vector<1x16xf32>,
    %get3A_877 = vector.shape_cast %get3A_876 : vector<1x16xf32> to vector<16xf32>
    %add3A_878 = arith.addf %add3A_872, %get3A_877 : vector<16xf32>
    %get3A_879 = arith.constant 4 : i32
    %get3A_880 = arith.index_cast %get3A_879 : i32 to index
    %get3A_881 = arith.constant 208 : index
    %get3A_882 = tpu.vector_load %arg9[%get3A_880, %get3A_881] {strides = array<i32>} : memref<6x512xf32, #tpu.memory_space<vmem>>, vector<1x16xf32>,
    %get3A_883 = vector.shape_cast %get3A_882 : vector<1x16xf32> to vector<16xf32>
    %add3A_884 = arith.addf %add3A_878, %get3A_883 : vector<16xf32>
    %get3A_885 = arith.constant 5 : i32
    %get3A_886 = arith.index_cast %get3A_885 : i32 to index
    %get3A_887 = arith.constant 208 : index
    %get3A_888 = tpu.vector_load %arg9[%get3A_886, %get3A_887] {strides = array<i32>} : memref<6x512xf32, #tpu.memory_space<vmem>>, vector<1x16xf32>,
    %get3A_889 = vector.shape_cast %get3A_888 : vector<1x16xf32> to vector<16xf32>
    %add3A_890 = arith.addf %add3A_884, %get3A_889 : vector<16xf32>
    %swap3A_891 = arith.constant 208 : index
    %swap3A_892 = tpu.vector_load %arg12[%swap3A_891] {strides = array<i32>} : memref<512xf32, #tpu.memory_space<vmem>>, vector<16xf32>,
    %swap3A_893 = vector.shape_cast %swap3A_892 : vector<16xf32> to vector<16xf32>
    %swap3A_894 = vector.shape_cast %add3A_890 : vector<16xf32> to vector<16xf32>
    tpu.vector_store %arg12[%swap3A_891], %swap3A_894 {strides = array<i32>} : memref<512xf32, #tpu.memory_space<vmem>>, vector<16xf32>,
    %get3A_895 = arith.constant 0 : i32
    %get3A_896 = arith.index_cast %get3A_895 : i32 to index
    %get3A_897 = arith.constant 224 : index
    %get3A_898 = tpu.vector_load %arg10[%get3A_896, %get3A_897] {strides = array<i32>} : memref<1x512xf32, #tpu.memory_space<vmem>>, vector<1x16xf32>,
    %get3A_899 = vector.shape_cast %get3A_898 : vector<1x16xf32> to vector<16xf32>
    %get3A_900 = arith.constant 0 : i32
    %get3A_901 = arith.index_cast %get3A_900 : i32 to index
    %get3A_902 = arith.constant 224 : index
    %get3A_903 = tpu.vector_load %arg9[%get3A_901, %get3A_902] {strides = array<i32>} : memref<6x512xf32, #tpu.memory_space<vmem>>, vector<1x16xf32>,
    %get3A_904 = vector.shape_cast %get3A_903 : vector<1x16xf32> to vector<16xf32>
    %add3A_905 = arith.addf %get3A_899, %get3A_904 : vector<16xf32>
    %get3A_906 = arith.constant 1 : i32
    %get3A_907 = arith.index_cast %get3A_906 : i32 to index
    %get3A_908 = arith.constant 224 : index
    %get3A_909 = tpu.vector_load %arg9[%get3A_907, %get3A_908] {strides = array<i32>} : memref<6x512xf32, #tpu.memory_space<vmem>>, vector<1x16xf32>,
    %get3A_910 = vector.shape_cast %get3A_909 : vector<1x16xf32> to vector<16xf32>
    %add3A_911 = arith.addf %add3A_905, %get3A_910 : vector<16xf32>
    %get3A_912 = arith.constant 2 : i32
    %get3A_913 = arith.index_cast %get3A_912 : i32 to index
    %get3A_914 = arith.constant 224 : index
    %get3A_915 = tpu.vector_load %arg9[%get3A_913, %get3A_914] {strides = array<i32>} : memref<6x512xf32, #tpu.memory_space<vmem>>, vector<1x16xf32>,
    %get3A_916 = vector.shape_cast %get3A_915 : vector<1x16xf32> to vector<16xf32>
    %add3A_917 = arith.addf %add3A_911, %get3A_916 : vector<16xf32>
    %get3A_918 = arith.constant 3 : i32
    %get3A_919 = arith.index_cast %get3A_918 : i32 to index
    %get3A_920 = arith.constant 224 : index
    %get3A_921 = tpu.vector_load %arg9[%get3A_919, %get3A_920] {strides = array<i32>} : memref<6x512xf32, #tpu.memory_space<vmem>>, vector<1x16xf32>,
    %get3A_922 = vector.shape_cast %get3A_921 : vector<1x16xf32> to vector<16xf32>
    %add3A_923 = arith.addf %add3A_917, %get3A_922 : vector<16xf32>
    %get3A_924 = arith.constant 4 : i32
    %get3A_925 = arith.index_cast %get3A_924 : i32 to index
    %get3A_926 = arith.constant 224 : index
    %get3A_927 = tpu.vector_load %arg9[%get3A_925, %get3A_926] {strides = array<i32>} : memref<6x512xf32, #tpu.memory_space<vmem>>, vector<1x16xf32>,
    %get3A_928 = vector.shape_cast %get3A_927 : vector<1x16xf32> to vector<16xf32>
    %add3A_929 = arith.addf %add3A_923, %get3A_928 : vector<16xf32>
    %get3A_930 = arith.constant 5 : i32
    %get3A_931 = arith.index_cast %get3A_930 : i32 to index
    %get3A_932 = arith.constant 224 : index
    %get3A_933 = tpu.vector_load %arg9[%get3A_931, %get3A_932] {strides = array<i32>} : memref<6x512xf32, #tpu.memory_space<vmem>>, vector<1x16xf32>,
    %get3A_934 = vector.shape_cast %get3A_933 : vector<1x16xf32> to vector<16xf32>
    %add3A_935 = arith.addf %add3A_929, %get3A_934 : vector<16xf32>
    %swap3A_936 = arith.constant 224 : index
    %swap3A_937 = tpu.vector_load %arg12[%swap3A_936] {strides = array<i32>} : memref<512xf32, #tpu.memory_space<vmem>>, vector<16xf32>,
    %swap3A_938 = vector.shape_cast %swap3A_937 : vector<16xf32> to vector<16xf32>
    %swap3A_939 = vector.shape_cast %add3A_935 : vector<16xf32> to vector<16xf32>
    tpu.vector_store %arg12[%swap3A_936], %swap3A_939 {strides = array<i32>} : memref<512xf32, #tpu.memory_space<vmem>>, vector<16xf32>,
    %get3A_940 = arith.constant 0 : i32
    %get3A_941 = arith.index_cast %get3A_940 : i32 to index
    %get3A_942 = arith.constant 240 : index
    %get3A_943 = tpu.vector_load %arg10[%get3A_941, %get3A_942] {strides = array<i32>} : memref<1x512xf32, #tpu.memory_space<vmem>>, vector<1x16xf32>,
    %get3A_944 = vector.shape_cast %get3A_943 : vector<1x16xf32> to vector<16xf32>
    %get3A_945 = arith.constant 0 : i32
    %get3A_946 = arith.index_cast %get3A_945 : i32 to index
    %get3A_947 = arith.constant 240 : index
    %get3A_948 = tpu.vector_load %arg9[%get3A_946, %get3A_947] {strides = array<i32>} : memref<6x512xf32, #tpu.memory_space<vmem>>, vector<1x16xf32>,
    %get3A_949 = vector.shape_cast %get3A_948 : vector<1x16xf32> to vector<16xf32>
    %add3A_950 = arith.addf %get3A_944, %get3A_949 : vector<16xf32>
    %get3A_951 = arith.constant 1 : i32
    %get3A_952 = arith.index_cast %get3A_951 : i32 to index
    %get3A_953 = arith.constant 240 : index
    %get3A_954 = tpu.vector_load %arg9[%get3A_952, %get3A_953] {strides = array<i32>} : memref<6x512xf32, #tpu.memory_space<vmem>>, vector<1x16xf32>,
    %get3A_955 = vector.shape_cast %get3A_954 : vector<1x16xf32> to vector<16xf32>
    %add3A_956 = arith.addf %add3A_950, %get3A_955 : vector<16xf32>
    %get3A_957 = arith.constant 2 : i32
    %get3A_958 = arith.index_cast %get3A_957 : i32 to index
    %get3A_959 = arith.constant 240 : index
    %get3A_960 = tpu.vector_load %arg9[%get3A_958, %get3A_959] {strides = array<i32>} : memref<6x512xf32, #tpu.memory_space<vmem>>, vector<1x16xf32>,
    %get3A_961 = vector.shape_cast %get3A_960 : vector<1x16xf32> to vector<16xf32>
    %add3A_962 = arith.addf %add3A_956, %get3A_961 : vector<16xf32>
    %get3A_963 = arith.constant 3 : i32
    %get3A_964 = arith.index_cast %get3A_963 : i32 to index
    %get3A_965 = arith.constant 240 : index
    %get3A_966 = tpu.vector_load %arg9[%get3A_964, %get3A_965] {strides = array<i32>} : memref<6x512xf32, #tpu.memory_space<vmem>>, vector<1x16xf32>,
    %get3A_967 = vector.shape_cast %get3A_966 : vector<1x16xf32> to vector<16xf32>
    %add3A_968 = arith.addf %add3A_962, %get3A_967 : vector<16xf32>
    %get3A_969 = arith.constant 4 : i32
    %get3A_970 = arith.index_cast %get3A_969 : i32 to index
    %get3A_971 = arith.constant 240 : index
    %get3A_972 = tpu.vector_load %arg9[%get3A_970, %get3A_971] {strides = array<i32>} : memref<6x512xf32, #tpu.memory_space<vmem>>, vector<1x16xf32>,
    %get3A_973 = vector.shape_cast %get3A_972 : vector<1x16xf32> to vector<16xf32>
    %add3A_974 = arith.addf %add3A_968, %get3A_973 : vector<16xf32>
    %get3A_975 = arith.constant 5 : i32
    %get3A_976 = arith.index_cast %get3A_975 : i32 to index
    %get3A_977 = arith.constant 240 : index
    %get3A_978 = tpu.vector_load %arg9[%get3A_976, %get3A_977] {strides = array<i32>} : memref<6x512xf32, #tpu.memory_space<vmem>>, vector<1x16xf32>,
    %get3A_979 = vector.shape_cast %get3A_978 : vector<1x16xf32> to vector<16xf32>
    %add3A_980 = arith.addf %add3A_974, %get3A_979 : vector<16xf32>
    %swap3A_981 = arith.constant 240 : index
    %swap3A_982 = tpu.vector_load %arg12[%swap3A_981] {strides = array<i32>} : memref<512xf32, #tpu.memory_space<vmem>>, vector<16xf32>,
    %swap3A_983 = vector.shape_cast %swap3A_982 : vector<16xf32> to vector<16xf32>
    %swap3A_984 = vector.shape_cast %add3A_980 : vector<16xf32> to vector<16xf32>
    tpu.vector_store %arg12[%swap3A_981], %swap3A_984 {strides = array<i32>} : memref<512xf32, #tpu.memory_space<vmem>>, vector<16xf32>,
    %get3A_985 = arith.constant 0 : i32
    %get3A_986 = arith.index_cast %get3A_985 : i32 to index
    %get3A_987 = arith.constant 256 : index
    %get3A_988 = tpu.vector_load %arg10[%get3A_986, %get3A_987] {strides = array<i32>} : memref<1x512xf32, #tpu.memory_space<vmem>>, vector<1x16xf32>,
    %get3A_989 = vector.shape_cast %get3A_988 : vector<1x16xf32> to vector<16xf32>
    %get3A_990 = arith.constant 0 : i32
    %get3A_991 = arith.index_cast %get3A_990 : i32 to index
    %get3A_992 = arith.constant 256 : index
    %get3A_993 = tpu.vector_load %arg9[%get3A_991, %get3A_992] {strides = array<i32>} : memref<6x512xf32, #tpu.memory_space<vmem>>, vector<1x16xf32>,
    %get3A_994 = vector.shape_cast %get3A_993 : vector<1x16xf32> to vector<16xf32>
    %add3A_995 = arith.addf %get3A_989, %get3A_994 : vector<16xf32>
    %get3A_996 = arith.constant 1 : i32
    %get3A_997 = arith.index_cast %get3A_996 : i32 to index
    %get3A_998 = arith.constant 256 : index
    %get3A_999 = tpu.vector_load %arg9[%get3A_997, %get3A_998] {strides = array<i32>} : memref<6x512xf32, #tpu.memory_space<vmem>>, vector<1x16xf32>,
    %get3A_1000 = vector.shape_cast %get3A_999 : vector<1x16xf32> to vector<16xf32>
    %add3A_1001 = arith.addf %add3A_995, %get3A_1000 : vector<16xf32>
    %get3A_1002 = arith.constant 2 : i32
    %get3A_1003 = arith.index_cast %get3A_1002 : i32 to index
    %get3A_1004 = arith.constant 256 : index
    %get3A_1005 = tpu.vector_load %arg9[%get3A_1003, %get3A_1004] {strides = array<i32>} : memref<6x512xf32, #tpu.memory_space<vmem>>, vector<1x16xf32>,
    %get3A_1006 = vector.shape_cast %get3A_1005 : vector<1x16xf32> to vector<16xf32>
    %add3A_1007 = arith.addf %add3A_1001, %get3A_1006 : vector<16xf32>
    %get3A_1008 = arith.constant 3 : i32
    %get3A_1009 = arith.index_cast %get3A_1008 : i32 to index
    %get3A_1010 = arith.constant 256 : index
    %get3A_1011 = tpu.vector_load %arg9[%get3A_1009, %get3A_1010] {strides = array<i32>} : memref<6x512xf32, #tpu.memory_space<vmem>>, vector<1x16xf32>,
    %get3A_1012 = vector.shape_cast %get3A_1011 : vector<1x16xf32> to vector<16xf32>
    %add3A_1013 = arith.addf %add3A_1007, %get3A_1012 : vector<16xf32>
    %get3A_1014 = arith.constant 4 : i32
    %get3A_1015 = arith.index_cast %get3A_1014 : i32 to index
    %get3A_1016 = arith.constant 256 : index
    %get3A_1017 = tpu.vector_load %arg9[%get3A_1015, %get3A_1016] {strides = array<i32>} : memref<6x512xf32, #tpu.memory_space<vmem>>, vector<1x16xf32>,
    %get3A_1018 = vector.shape_cast %get3A_1017 : vector<1x16xf32> to vector<16xf32>
    %add3A_1019 = arith.addf %add3A_1013, %get3A_1018 : vector<16xf32>
    %get3A_1020 = arith.constant 5 : i32
    %get3A_1021 = arith.index_cast %get3A_1020 : i32 to index
    %get3A_1022 = arith.constant 256 : index
    %get3A_1023 = tpu.vector_load %arg9[%get3A_1021, %get3A_1022] {strides = array<i32>} : memref<6x512xf32, #tpu.memory_space<vmem>>, vector<1x16xf32>,
    %get3A_1024 = vector.shape_cast %get3A_1023 : vector<1x16xf32> to vector<16xf32>
    %add3A_1025 = arith.addf %add3A_1019, %get3A_1024 : vector<16xf32>
    %swap3A_1026 = arith.constant 256 : index
    %swap3A_1027 = tpu.vector_load %arg12[%swap3A_1026] {strides = array<i32>} : memref<512xf32, #tpu.memory_space<vmem>>, vector<16xf32>,
    %swap3A_1028 = vector.shape_cast %swap3A_1027 : vector<16xf32> to vector<16xf32>
    %swap3A_1029 = vector.shape_cast %add3A_1025 : vector<16xf32> to vector<16xf32>
    tpu.vector_store %arg12[%swap3A_1026], %swap3A_1029 {strides = array<i32>} : memref<512xf32, #tpu.memory_space<vmem>>, vector<16xf32>,
    %get3A_1030 = arith.constant 0 : i32
    %get3A_1031 = arith.index_cast %get3A_1030 : i32 to index
    %get3A_1032 = arith.constant 272 : index
    %get3A_1033 = tpu.vector_load %arg10[%get3A_1031, %get3A_1032] {strides = array<i32>} : memref<1x512xf32, #tpu.memory_space<vmem>>, vector<1x16xf32>,
    %get3A_1034 = vector.shape_cast %get3A_1033 : vector<1x16xf32> to vector<16xf32>
    %get3A_1035 = arith.constant 0 : i32
    %get3A_1036 = arith.index_cast %get3A_1035 : i32 to index
    %get3A_1037 = arith.constant 272 : index
    %get3A_1038 = tpu.vector_load %arg9[%get3A_1036, %get3A_1037] {strides = array<i32>} : memref<6x512xf32, #tpu.memory_space<vmem>>, vector<1x16xf32>,
    %get3A_1039 = vector.shape_cast %get3A_1038 : vector<1x16xf32> to vector<16xf32>
    %add3A_1040 = arith.addf %get3A_1034, %get3A_1039 : vector<16xf32>
    %get3A_1041 = arith.constant 1 : i32
    %get3A_1042 = arith.index_cast %get3A_1041 : i32 to index
    %get3A_1043 = arith.constant 272 : index
    %get3A_1044 = tpu.vector_load %arg9[%get3A_1042, %get3A_1043] {strides = array<i32>} : memref<6x512xf32, #tpu.memory_space<vmem>>, vector<1x16xf32>,
    %get3A_1045 = vector.shape_cast %get3A_1044 : vector<1x16xf32> to vector<16xf32>
    %add3A_1046 = arith.addf %add3A_1040, %get3A_1045 : vector<16xf32>
    %get3A_1047 = arith.constant 2 : i32
    %get3A_1048 = arith.index_cast %get3A_1047 : i32 to index
    %get3A_1049 = arith.constant 272 : index
    %get3A_1050 = tpu.vector_load %arg9[%get3A_1048, %get3A_1049] {strides = array<i32>} : memref<6x512xf32, #tpu.memory_space<vmem>>, vector<1x16xf32>,
    %get3A_1051 = vector.shape_cast %get3A_1050 : vector<1x16xf32> to vector<16xf32>
    %add3A_1052 = arith.addf %add3A_1046, %get3A_1051 : vector<16xf32>
    %get3A_1053 = arith.constant 3 : i32
    %get3A_1054 = arith.index_cast %get3A_1053 : i32 to index
    %get3A_1055 = arith.constant 272 : index
    %get3A_1056 = tpu.vector_load %arg9[%get3A_1054, %get3A_1055] {strides = array<i32>} : memref<6x512xf32, #tpu.memory_space<vmem>>, vector<1x16xf32>,
    %get3A_1057 = vector.shape_cast %get3A_1056 : vector<1x16xf32> to vector<16xf32>
    %add3A_1058 = arith.addf %add3A_1052, %get3A_1057 : vector<16xf32>
    %get3A_1059 = arith.constant 4 : i32
    %get3A_1060 = arith.index_cast %get3A_1059 : i32 to index
    %get3A_1061 = arith.constant 272 : index
    %get3A_1062 = tpu.vector_load %arg9[%get3A_1060, %get3A_1061] {strides = array<i32>} : memref<6x512xf32, #tpu.memory_space<vmem>>, vector<1x16xf32>,
    %get3A_1063 = vector.shape_cast %get3A_1062 : vector<1x16xf32> to vector<16xf32>
    %add3A_1064 = arith.addf %add3A_1058, %get3A_1063 : vector<16xf32>
    %get3A_1065 = arith.constant 5 : i32
    %get3A_1066 = arith.index_cast %get3A_1065 : i32 to index
    %get3A_1067 = arith.constant 272 : index
    %get3A_1068 = tpu.vector_load %arg9[%get3A_1066, %get3A_1067] {strides = array<i32>} : memref<6x512xf32, #tpu.memory_space<vmem>>, vector<1x16xf32>,
    %get3A_1069 = vector.shape_cast %get3A_1068 : vector<1x16xf32> to vector<16xf32>
    %add3A_1070 = arith.addf %add3A_1064, %get3A_1069 : vector<16xf32>
    %swap3A_1071 = arith.constant 272 : index
    %swap3A_1072 = tpu.vector_load %arg12[%swap3A_1071] {strides = array<i32>} : memref<512xf32, #tpu.memory_space<vmem>>, vector<16xf32>,
    %swap3A_1073 = vector.shape_cast %swap3A_1072 : vector<16xf32> to vector<16xf32>
    %swap3A_1074 = vector.shape_cast %add3A_1070 : vector<16xf32> to vector<16xf32>
    tpu.vector_store %arg12[%swap3A_1071], %swap3A_1074 {strides = array<i32>} : memref<512xf32, #tpu.memory_space<vmem>>, vector<16xf32>,
    %get3A_1075 = arith.constant 0 : i32
    %get3A_1076 = arith.index_cast %get3A_1075 : i32 to index
    %get3A_1077 = arith.constant 288 : index
    %get3A_1078 = tpu.vector_load %arg10[%get3A_1076, %get3A_1077] {strides = array<i32>} : memref<1x512xf32, #tpu.memory_space<vmem>>, vector<1x16xf32>,
    %get3A_1079 = vector.shape_cast %get3A_1078 : vector<1x16xf32> to vector<16xf32>
    %get3A_1080 = arith.constant 0 : i32
    %get3A_1081 = arith.index_cast %get3A_1080 : i32 to index
    %get3A_1082 = arith.constant 288 : index
    %get3A_1083 = tpu.vector_load %arg9[%get3A_1081, %get3A_1082] {strides = array<i32>} : memref<6x512xf32, #tpu.memory_space<vmem>>, vector<1x16xf32>,
    %get3A_1084 = vector.shape_cast %get3A_1083 : vector<1x16xf32> to vector<16xf32>
    %add3A_1085 = arith.addf %get3A_1079, %get3A_1084 : vector<16xf32>
    %get3A_1086 = arith.constant 1 : i32
    %get3A_1087 = arith.index_cast %get3A_1086 : i32 to index
    %get3A_1088 = arith.constant 288 : index
    %get3A_1089 = tpu.vector_load %arg9[%get3A_1087, %get3A_1088] {strides = array<i32>} : memref<6x512xf32, #tpu.memory_space<vmem>>, vector<1x16xf32>,
    %get3A_1090 = vector.shape_cast %get3A_1089 : vector<1x16xf32> to vector<16xf32>
    %add3A_1091 = arith.addf %add3A_1085, %get3A_1090 : vector<16xf32>
    %get3A_1092 = arith.constant 2 : i32
    %get3A_1093 = arith.index_cast %get3A_1092 : i32 to index
    %get3A_1094 = arith.constant 288 : index
    %get3A_1095 = tpu.vector_load %arg9[%get3A_1093, %get3A_1094] {strides = array<i32>} : memref<6x512xf32, #tpu.memory_space<vmem>>, vector<1x16xf32>,
    %get3A_1096 = vector.shape_cast %get3A_1095 : vector<1x16xf32> to vector<16xf32>
    %add3A_1097 = arith.addf %add3A_1091, %get3A_1096 : vector<16xf32>
    %get3A_1098 = arith.constant 3 : i32
    %get3A_1099 = arith.index_cast %get3A_1098 : i32 to index
    %get3A_1100 = arith.constant 288 : index
    %get3A_1101 = tpu.vector_load %arg9[%get3A_1099, %get3A_1100] {strides = array<i32>} : memref<6x512xf32, #tpu.memory_space<vmem>>, vector<1x16xf32>,
    %get3A_1102 = vector.shape_cast %get3A_1101 : vector<1x16xf32> to vector<16xf32>
    %add3A_1103 = arith.addf %add3A_1097, %get3A_1102 : vector<16xf32>
    %get3A_1104 = arith.constant 4 : i32
    %get3A_1105 = arith.index_cast %get3A_1104 : i32 to index
    %get3A_1106 = arith.constant 288 : index
    %get3A_1107 = tpu.vector_load %arg9[%get3A_1105, %get3A_1106] {strides = array<i32>} : memref<6x512xf32, #tpu.memory_space<vmem>>, vector<1x16xf32>,
    %get3A_1108 = vector.shape_cast %get3A_1107 : vector<1x16xf32> to vector<16xf32>
    %add3A_1109 = arith.addf %add3A_1103, %get3A_1108 : vector<16xf32>
    %get3A_1110 = arith.constant 5 : i32
    %get3A_1111 = arith.index_cast %get3A_1110 : i32 to index
    %get3A_1112 = arith.constant 288 : index
    %get3A_1113 = tpu.vector_load %arg9[%get3A_1111, %get3A_1112] {strides = array<i32>} : memref<6x512xf32, #tpu.memory_space<vmem>>, vector<1x16xf32>,
    %get3A_1114 = vector.shape_cast %get3A_1113 : vector<1x16xf32> to vector<16xf32>
    %add3A_1115 = arith.addf %add3A_1109, %get3A_1114 : vector<16xf32>
    %swap3A_1116 = arith.constant 288 : index
    %swap3A_1117 = tpu.vector_load %arg12[%swap3A_1116] {strides = array<i32>} : memref<512xf32, #tpu.memory_space<vmem>>, vector<16xf32>,
    %swap3A_1118 = vector.shape_cast %swap3A_1117 : vector<16xf32> to vector<16xf32>
    %swap3A_1119 = vector.shape_cast %add3A_1115 : vector<16xf32> to vector<16xf32>
    tpu.vector_store %arg12[%swap3A_1116], %swap3A_1119 {strides = array<i32>} : memref<512xf32, #tpu.memory_space<vmem>>, vector<16xf32>,
    %get3A_1120 = arith.constant 0 : i32
    %get3A_1121 = arith.index_cast %get3A_1120 : i32 to index
    %get3A_1122 = arith.constant 304 : index
    %get3A_1123 = tpu.vector_load %arg10[%get3A_1121, %get3A_1122] {strides = array<i32>} : memref<1x512xf32, #tpu.memory_space<vmem>>, vector<1x16xf32>,
    %get3A_1124 = vector.shape_cast %get3A_1123 : vector<1x16xf32> to vector<16xf32>
    %get3A_1125 = arith.constant 0 : i32
    %get3A_1126 = arith.index_cast %get3A_1125 : i32 to index
    %get3A_1127 = arith.constant 304 : index
    %get3A_1128 = tpu.vector_load %arg9[%get3A_1126, %get3A_1127] {strides = array<i32>} : memref<6x512xf32, #tpu.memory_space<vmem>>, vector<1x16xf32>,
    %get3A_1129 = vector.shape_cast %get3A_1128 : vector<1x16xf32> to vector<16xf32>
    %add3A_1130 = arith.addf %get3A_1124, %get3A_1129 : vector<16xf32>
    %get3A_1131 = arith.constant 1 : i32
    %get3A_1132 = arith.index_cast %get3A_1131 : i32 to index
    %get3A_1133 = arith.constant 304 : index
    %get3A_1134 = tpu.vector_load %arg9[%get3A_1132, %get3A_1133] {strides = array<i32>} : memref<6x512xf32, #tpu.memory_space<vmem>>, vector<1x16xf32>,
    %get3A_1135 = vector.shape_cast %get3A_1134 : vector<1x16xf32> to vector<16xf32>
    %add3A_1136 = arith.addf %add3A_1130, %get3A_1135 : vector<16xf32>
    %get3A_1137 = arith.constant 2 : i32
    %get3A_1138 = arith.index_cast %get3A_1137 : i32 to index
    %get3A_1139 = arith.constant 304 : index
    %get3A_1140 = tpu.vector_load %arg9[%get3A_1138, %get3A_1139] {strides = array<i32>} : memref<6x512xf32, #tpu.memory_space<vmem>>, vector<1x16xf32>,
    %get3A_1141 = vector.shape_cast %get3A_1140 : vector<1x16xf32> to vector<16xf32>
    %add3A_1142 = arith.addf %add3A_1136, %get3A_1141 : vector<16xf32>
    %get3A_1143 = arith.constant 3 : i32
    %get3A_1144 = arith.index_cast %get3A_1143 : i32 to index
    %get3A_1145 = arith.constant 304 : index
    %get3A_1146 = tpu.vector_load %arg9[%get3A_1144, %get3A_1145] {strides = array<i32>} : memref<6x512xf32, #tpu.memory_space<vmem>>, vector<1x16xf32>,
    %get3A_1147 = vector.shape_cast %get3A_1146 : vector<1x16xf32> to vector<16xf32>
    %add3A_1148 = arith.addf %add3A_1142, %get3A_1147 : vector<16xf32>
    %get3A_1149 = arith.constant 4 : i32
    %get3A_1150 = arith.index_cast %get3A_1149 : i32 to index
    %get3A_1151 = arith.constant 304 : index
    %get3A_1152 = tpu.vector_load %arg9[%get3A_1150, %get3A_1151] {strides = array<i32>} : memref<6x512xf32, #tpu.memory_space<vmem>>, vector<1x16xf32>,
    %get3A_1153 = vector.shape_cast %get3A_1152 : vector<1x16xf32> to vector<16xf32>
    %add3A_1154 = arith.addf %add3A_1148, %get3A_1153 : vector<16xf32>
    %get3A_1155 = arith.constant 5 : i32
    %get3A_1156 = arith.index_cast %get3A_1155 : i32 to index
    %get3A_1157 = arith.constant 304 : index
    %get3A_1158 = tpu.vector_load %arg9[%get3A_1156, %get3A_1157] {strides = array<i32>} : memref<6x512xf32, #tpu.memory_space<vmem>>, vector<1x16xf32>,
    %get3A_1159 = vector.shape_cast %get3A_1158 : vector<1x16xf32> to vector<16xf32>
    %add3A_1160 = arith.addf %add3A_1154, %get3A_1159 : vector<16xf32>
    %swap3A_1161 = arith.constant 304 : index
    %swap3A_1162 = tpu.vector_load %arg12[%swap3A_1161] {strides = array<i32>} : memref<512xf32, #tpu.memory_space<vmem>>, vector<16xf32>,
    %swap3A_1163 = vector.shape_cast %swap3A_1162 : vector<16xf32> to vector<16xf32>
    %swap3A_1164 = vector.shape_cast %add3A_1160 : vector<16xf32> to vector<16xf32>
    tpu.vector_store %arg12[%swap3A_1161], %swap3A_1164 {strides = array<i32>} : memref<512xf32, #tpu.memory_space<vmem>>, vector<16xf32>,
    %get3A_1165 = arith.constant 0 : i32
    %get3A_1166 = arith.index_cast %get3A_1165 : i32 to index
    %get3A_1167 = arith.constant 320 : index
    %get3A_1168 = tpu.vector_load %arg10[%get3A_1166, %get3A_1167] {strides = array<i32>} : memref<1x512xf32, #tpu.memory_space<vmem>>, vector<1x16xf32>,
    %get3A_1169 = vector.shape_cast %get3A_1168 : vector<1x16xf32> to vector<16xf32>
    %get3A_1170 = arith.constant 0 : i32
    %get3A_1171 = arith.index_cast %get3A_1170 : i32 to index
    %get3A_1172 = arith.constant 320 : index
    %get3A_1173 = tpu.vector_load %arg9[%get3A_1171, %get3A_1172] {strides = array<i32>} : memref<6x512xf32, #tpu.memory_space<vmem>>, vector<1x16xf32>,
    %get3A_1174 = vector.shape_cast %get3A_1173 : vector<1x16xf32> to vector<16xf32>
    %add3A_1175 = arith.addf %get3A_1169, %get3A_1174 : vector<16xf32>
    %get3A_1176 = arith.constant 1 : i32
    %get3A_1177 = arith.index_cast %get3A_1176 : i32 to index
    %get3A_1178 = arith.constant 320 : index
    %get3A_1179 = tpu.vector_load %arg9[%get3A_1177, %get3A_1178] {strides = array<i32>} : memref<6x512xf32, #tpu.memory_space<vmem>>, vector<1x16xf32>,
    %get3A_1180 = vector.shape_cast %get3A_1179 : vector<1x16xf32> to vector<16xf32>
    %add3A_1181 = arith.addf %add3A_1175, %get3A_1180 : vector<16xf32>
    %get3A_1182 = arith.constant 2 : i32
    %get3A_1183 = arith.index_cast %get3A_1182 : i32 to index
    %get3A_1184 = arith.constant 320 : index
    %get3A_1185 = tpu.vector_load %arg9[%get3A_1183, %get3A_1184] {strides = array<i32>} : memref<6x512xf32, #tpu.memory_space<vmem>>, vector<1x16xf32>,
    %get3A_1186 = vector.shape_cast %get3A_1185 : vector<1x16xf32> to vector<16xf32>
    %add3A_1187 = arith.addf %add3A_1181, %get3A_1186 : vector<16xf32>
    %get3A_1188 = arith.constant 3 : i32
    %get3A_1189 = arith.index_cast %get3A_1188 : i32 to index
    %get3A_1190 = arith.constant 320 : index
    %get3A_1191 = tpu.vector_load %arg9[%get3A_1189, %get3A_1190] {strides = array<i32>} : memref<6x512xf32, #tpu.memory_space<vmem>>, vector<1x16xf32>,
    %get3A_1192 = vector.shape_cast %get3A_1191 : vector<1x16xf32> to vector<16xf32>
    %add3A_1193 = arith.addf %add3A_1187, %get3A_1192 : vector<16xf32>
    %get3A_1194 = arith.constant 4 : i32
    %get3A_1195 = arith.index_cast %get3A_1194 : i32 to index
    %get3A_1196 = arith.constant 320 : index
    %get3A_1197 = tpu.vector_load %arg9[%get3A_1195, %get3A_1196] {strides = array<i32>} : memref<6x512xf32, #tpu.memory_space<vmem>>, vector<1x16xf32>,
    %get3A_1198 = vector.shape_cast %get3A_1197 : vector<1x16xf32> to vector<16xf32>
    %add3A_1199 = arith.addf %add3A_1193, %get3A_1198 : vector<16xf32>
    %get3A_1200 = arith.constant 5 : i32
    %get3A_1201 = arith.index_cast %get3A_1200 : i32 to index
    %get3A_1202 = arith.constant 320 : index
    %get3A_1203 = tpu.vector_load %arg9[%get3A_1201, %get3A_1202] {strides = array<i32>} : memref<6x512xf32, #tpu.memory_space<vmem>>, vector<1x16xf32>,
    %get3A_1204 = vector.shape_cast %get3A_1203 : vector<1x16xf32> to vector<16xf32>
    %add3A_1205 = arith.addf %add3A_1199, %get3A_1204 : vector<16xf32>
    %swap3A_1206 = arith.constant 320 : index
    %swap3A_1207 = tpu.vector_load %arg12[%swap3A_1206] {strides = array<i32>} : memref<512xf32, #tpu.memory_space<vmem>>, vector<16xf32>,
    %swap3A_1208 = vector.shape_cast %swap3A_1207 : vector<16xf32> to vector<16xf32>
    %swap3A_1209 = vector.shape_cast %add3A_1205 : vector<16xf32> to vector<16xf32>
    tpu.vector_store %arg12[%swap3A_1206], %swap3A_1209 {strides = array<i32>} : memref<512xf32, #tpu.memory_space<vmem>>, vector<16xf32>,
    %get3A_1210 = arith.constant 0 : i32
    %get3A_1211 = arith.index_cast %get3A_1210 : i32 to index
    %get3A_1212 = arith.constant 336 : index
    %get3A_1213 = tpu.vector_load %arg10[%get3A_1211, %get3A_1212] {strides = array<i32>} : memref<1x512xf32, #tpu.memory_space<vmem>>, vector<1x16xf32>,
    %get3A_1214 = vector.shape_cast %get3A_1213 : vector<1x16xf32> to vector<16xf32>
    %get3A_1215 = arith.constant 0 : i32
    %get3A_1216 = arith.index_cast %get3A_1215 : i32 to index
    %get3A_1217 = arith.constant 336 : index
    %get3A_1218 = tpu.vector_load %arg9[%get3A_1216, %get3A_1217] {strides = array<i32>} : memref<6x512xf32, #tpu.memory_space<vmem>>, vector<1x16xf32>,
    %get3A_1219 = vector.shape_cast %get3A_1218 : vector<1x16xf32> to vector<16xf32>
    %add3A_1220 = arith.addf %get3A_1214, %get3A_1219 : vector<16xf32>
    %get3A_1221 = arith.constant 1 : i32
    %get3A_1222 = arith.index_cast %get3A_1221 : i32 to index
    %get3A_1223 = arith.constant 336 : index
    %get3A_1224 = tpu.vector_load %arg9[%get3A_1222, %get3A_1223] {strides = array<i32>} : memref<6x512xf32, #tpu.memory_space<vmem>>, vector<1x16xf32>,
    %get3A_1225 = vector.shape_cast %get3A_1224 : vector<1x16xf32> to vector<16xf32>
    %add3A_1226 = arith.addf %add3A_1220, %get3A_1225 : vector<16xf32>
    %get3A_1227 = arith.constant 2 : i32
    %get3A_1228 = arith.index_cast %get3A_1227 : i32 to index
    %get3A_1229 = arith.constant 336 : index
    %get3A_1230 = tpu.vector_load %arg9[%get3A_1228, %get3A_1229] {strides = array<i32>} : memref<6x512xf32, #tpu.memory_space<vmem>>, vector<1x16xf32>,
    %get3A_1231 = vector.shape_cast %get3A_1230 : vector<1x16xf32> to vector<16xf32>
    %add3A_1232 = arith.addf %add3A_1226, %get3A_1231 : vector<16xf32>
    %get3A_1233 = arith.constant 3 : i32
    %get3A_1234 = arith.index_cast %get3A_1233 : i32 to index
    %get3A_1235 = arith.constant 336 : index
    %get3A_1236 = tpu.vector_load %arg9[%get3A_1234, %get3A_1235] {strides = array<i32>} : memref<6x512xf32, #tpu.memory_space<vmem>>, vector<1x16xf32>,
    %get3A_1237 = vector.shape_cast %get3A_1236 : vector<1x16xf32> to vector<16xf32>
    %add3A_1238 = arith.addf %add3A_1232, %get3A_1237 : vector<16xf32>
    %get3A_1239 = arith.constant 4 : i32
    %get3A_1240 = arith.index_cast %get3A_1239 : i32 to index
    %get3A_1241 = arith.constant 336 : index
    %get3A_1242 = tpu.vector_load %arg9[%get3A_1240, %get3A_1241] {strides = array<i32>} : memref<6x512xf32, #tpu.memory_space<vmem>>, vector<1x16xf32>,
    %get3A_1243 = vector.shape_cast %get3A_1242 : vector<1x16xf32> to vector<16xf32>
    %add3A_1244 = arith.addf %add3A_1238, %get3A_1243 : vector<16xf32>
    %get3A_1245 = arith.constant 5 : i32
    %get3A_1246 = arith.index_cast %get3A_1245 : i32 to index
    %get3A_1247 = arith.constant 336 : index
    %get3A_1248 = tpu.vector_load %arg9[%get3A_1246, %get3A_1247] {strides = array<i32>} : memref<6x512xf32, #tpu.memory_space<vmem>>, vector<1x16xf32>,
    %get3A_1249 = vector.shape_cast %get3A_1248 : vector<1x16xf32> to vector<16xf32>
    %add3A_1250 = arith.addf %add3A_1244, %get3A_1249 : vector<16xf32>
    %swap3A_1251 = arith.constant 336 : index
    %swap3A_1252 = tpu.vector_load %arg12[%swap3A_1251] {strides = array<i32>} : memref<512xf32, #tpu.memory_space<vmem>>, vector<16xf32>,
    %swap3A_1253 = vector.shape_cast %swap3A_1252 : vector<16xf32> to vector<16xf32>
    %swap3A_1254 = vector.shape_cast %add3A_1250 : vector<16xf32> to vector<16xf32>
    tpu.vector_store %arg12[%swap3A_1251], %swap3A_1254 {strides = array<i32>} : memref<512xf32, #tpu.memory_space<vmem>>, vector<16xf32>,
    %get3A_1255 = arith.constant 0 : i32
    %get3A_1256 = arith.index_cast %get3A_1255 : i32 to index
    %get3A_1257 = arith.constant 352 : index
    %get3A_1258 = tpu.vector_load %arg10[%get3A_1256, %get3A_1257] {strides = array<i32>} : memref<1x512xf32, #tpu.memory_space<vmem>>, vector<1x16xf32>,
    %get3A_1259 = vector.shape_cast %get3A_1258 : vector<1x16xf32> to vector<16xf32>
    %get3A_1260 = arith.constant 0 : i32
    %get3A_1261 = arith.index_cast %get3A_1260 : i32 to index
    %get3A_1262 = arith.constant 352 : index
    %get3A_1263 = tpu.vector_load %arg9[%get3A_1261, %get3A_1262] {strides = array<i32>} : memref<6x512xf32, #tpu.memory_space<vmem>>, vector<1x16xf32>,
    %get3A_1264 = vector.shape_cast %get3A_1263 : vector<1x16xf32> to vector<16xf32>
    %add3A_1265 = arith.addf %get3A_1259, %get3A_1264 : vector<16xf32>
    %get3A_1266 = arith.constant 1 : i32
    %get3A_1267 = arith.index_cast %get3A_1266 : i32 to index
    %get3A_1268 = arith.constant 352 : index
    %get3A_1269 = tpu.vector_load %arg9[%get3A_1267, %get3A_1268] {strides = array<i32>} : memref<6x512xf32, #tpu.memory_space<vmem>>, vector<1x16xf32>,
    %get3A_1270 = vector.shape_cast %get3A_1269 : vector<1x16xf32> to vector<16xf32>
    %add3A_1271 = arith.addf %add3A_1265, %get3A_1270 : vector<16xf32>
    %get3A_1272 = arith.constant 2 : i32
    %get3A_1273 = arith.index_cast %get3A_1272 : i32 to index
    %get3A_1274 = arith.constant 352 : index
    %get3A_1275 = tpu.vector_load %arg9[%get3A_1273, %get3A_1274] {strides = array<i32>} : memref<6x512xf32, #tpu.memory_space<vmem>>, vector<1x16xf32>,
    %get3A_1276 = vector.shape_cast %get3A_1275 : vector<1x16xf32> to vector<16xf32>
    %add3A_1277 = arith.addf %add3A_1271, %get3A_1276 : vector<16xf32>
    %get3A_1278 = arith.constant 3 : i32
    %get3A_1279 = arith.index_cast %get3A_1278 : i32 to index
    %get3A_1280 = arith.constant 352 : index
    %get3A_1281 = tpu.vector_load %arg9[%get3A_1279, %get3A_1280] {strides = array<i32>} : memref<6x512xf32, #tpu.memory_space<vmem>>, vector<1x16xf32>,
    %get3A_1282 = vector.shape_cast %get3A_1281 : vector<1x16xf32> to vector<16xf32>
    %add3A_1283 = arith.addf %add3A_1277, %get3A_1282 : vector<16xf32>
    %get3A_1284 = arith.constant 4 : i32
    %get3A_1285 = arith.index_cast %get3A_1284 : i32 to index
    %get3A_1286 = arith.constant 352 : index
    %get3A_1287 = tpu.vector_load %arg9[%get3A_1285, %get3A_1286] {strides = array<i32>} : memref<6x512xf32, #tpu.memory_space<vmem>>, vector<1x16xf32>,
    %get3A_1288 = vector.shape_cast %get3A_1287 : vector<1x16xf32> to vector<16xf32>
    %add3A_1289 = arith.addf %add3A_1283, %get3A_1288 : vector<16xf32>
    %get3A_1290 = arith.constant 5 : i32
    %get3A_1291 = arith.index_cast %get3A_1290 : i32 to index
    %get3A_1292 = arith.constant 352 : index
    %get3A_1293 = tpu.vector_load %arg9[%get3A_1291, %get3A_1292] {strides = array<i32>} : memref<6x512xf32, #tpu.memory_space<vmem>>, vector<1x16xf32>,
    %get3A_1294 = vector.shape_cast %get3A_1293 : vector<1x16xf32> to vector<16xf32>
    %add3A_1295 = arith.addf %add3A_1289, %get3A_1294 : vector<16xf32>
    %swap3A_1296 = arith.constant 352 : index
    %swap3A_1297 = tpu.vector_load %arg12[%swap3A_1296] {strides = array<i32>} : memref<512xf32, #tpu.memory_space<vmem>>, vector<16xf32>,
    %swap3A_1298 = vector.shape_cast %swap3A_1297 : vector<16xf32> to vector<16xf32>
    %swap3A_1299 = vector.shape_cast %add3A_1295 : vector<16xf32> to vector<16xf32>
    tpu.vector_store %arg12[%swap3A_1296], %swap3A_1299 {strides = array<i32>} : memref<512xf32, #tpu.memory_space<vmem>>, vector<16xf32>,
    %get3A_1300 = arith.constant 0 : i32
    %get3A_1301 = arith.index_cast %get3A_1300 : i32 to index
    %get3A_1302 = arith.constant 368 : index
    %get3A_1303 = tpu.vector_load %arg10[%get3A_1301, %get3A_1302] {strides = array<i32>} : memref<1x512xf32, #tpu.memory_space<vmem>>, vector<1x16xf32>,
    %get3A_1304 = vector.shape_cast %get3A_1303 : vector<1x16xf32> to vector<16xf32>
    %get3A_1305 = arith.constant 0 : i32
    %get3A_1306 = arith.index_cast %get3A_1305 : i32 to index
    %get3A_1307 = arith.constant 368 : index
    %get3A_1308 = tpu.vector_load %arg9[%get3A_1306, %get3A_1307] {strides = array<i32>} : memref<6x512xf32, #tpu.memory_space<vmem>>, vector<1x16xf32>,
    %get3A_1309 = vector.shape_cast %get3A_1308 : vector<1x16xf32> to vector<16xf32>
    %add3A_1310 = arith.addf %get3A_1304, %get3A_1309 : vector<16xf32>
    %get3A_1311 = arith.constant 1 : i32
    %get3A_1312 = arith.index_cast %get3A_1311 : i32 to index
    %get3A_1313 = arith.constant 368 : index
    %get3A_1314 = tpu.vector_load %arg9[%get3A_1312, %get3A_1313] {strides = array<i32>} : memref<6x512xf32, #tpu.memory_space<vmem>>, vector<1x16xf32>,
    %get3A_1315 = vector.shape_cast %get3A_1314 : vector<1x16xf32> to vector<16xf32>
    %add3A_1316 = arith.addf %add3A_1310, %get3A_1315 : vector<16xf32>
    %get3A_1317 = arith.constant 2 : i32
    %get3A_1318 = arith.index_cast %get3A_1317 : i32 to index
    %get3A_1319 = arith.constant 368 : index
    %get3A_1320 = tpu.vector_load %arg9[%get3A_1318, %get3A_1319] {strides = array<i32>} : memref<6x512xf32, #tpu.memory_space<vmem>>, vector<1x16xf32>,
    %get3A_1321 = vector.shape_cast %get3A_1320 : vector<1x16xf32> to vector<16xf32>
    %add3A_1322 = arith.addf %add3A_1316, %get3A_1321 : vector<16xf32>
    %get3A_1323 = arith.constant 3 : i32
    %get3A_1324 = arith.index_cast %get3A_1323 : i32 to index
    %get3A_1325 = arith.constant 368 : index
    %get3A_1326 = tpu.vector_load %arg9[%get3A_1324, %get3A_1325] {strides = array<i32>} : memref<6x512xf32, #tpu.memory_space<vmem>>, vector<1x16xf32>,
    %get3A_1327 = vector.shape_cast %get3A_1326 : vector<1x16xf32> to vector<16xf32>
    %add3A_1328 = arith.addf %add3A_1322, %get3A_1327 : vector<16xf32>
    %get3A_1329 = arith.constant 4 : i32
    %get3A_1330 = arith.index_cast %get3A_1329 : i32 to index
    %get3A_1331 = arith.constant 368 : index
    %get3A_1332 = tpu.vector_load %arg9[%get3A_1330, %get3A_1331] {strides = array<i32>} : memref<6x512xf32, #tpu.memory_space<vmem>>, vector<1x16xf32>,
    %get3A_1333 = vector.shape_cast %get3A_1332 : vector<1x16xf32> to vector<16xf32>
    %add3A_1334 = arith.addf %add3A_1328, %get3A_1333 : vector<16xf32>
    %get3A_1335 = arith.constant 5 : i32
    %get3A_1336 = arith.index_cast %get3A_1335 : i32 to index
    %get3A_1337 = arith.constant 368 : index
    %get3A_1338 = tpu.vector_load %arg9[%get3A_1336, %get3A_1337] {strides = array<i32>} : memref<6x512xf32, #tpu.memory_space<vmem>>, vector<1x16xf32>,
    %get3A_1339 = vector.shape_cast %get3A_1338 : vector<1x16xf32> to vector<16xf32>
    %add3A_1340 = arith.addf %add3A_1334, %get3A_1339 : vector<16xf32>
    %swap3A_1341 = arith.constant 368 : index
    %swap3A_1342 = tpu.vector_load %arg12[%swap3A_1341] {strides = array<i32>} : memref<512xf32, #tpu.memory_space<vmem>>, vector<16xf32>,
    %swap3A_1343 = vector.shape_cast %swap3A_1342 : vector<16xf32> to vector<16xf32>
    %swap3A_1344 = vector.shape_cast %add3A_1340 : vector<16xf32> to vector<16xf32>
    tpu.vector_store %arg12[%swap3A_1341], %swap3A_1344 {strides = array<i32>} : memref<512xf32, #tpu.memory_space<vmem>>, vector<16xf32>,
    %get3A_1345 = arith.constant 0 : i32
    %get3A_1346 = arith.index_cast %get3A_1345 : i32 to index
    %get3A_1347 = arith.constant 384 : index
    %get3A_1348 = tpu.vector_load %arg10[%get3A_1346, %get3A_1347] {strides = array<i32>} : memref<1x512xf32, #tpu.memory_space<vmem>>, vector<1x16xf32>,
    %get3A_1349 = vector.shape_cast %get3A_1348 : vector<1x16xf32> to vector<16xf32>
    %get3A_1350 = arith.constant 0 : i32
    %get3A_1351 = arith.index_cast %get3A_1350 : i32 to index
    %get3A_1352 = arith.constant 384 : index
    %get3A_1353 = tpu.vector_load %arg9[%get3A_1351, %get3A_1352] {strides = array<i32>} : memref<6x512xf32, #tpu.memory_space<vmem>>, vector<1x16xf32>,
    %get3A_1354 = vector.shape_cast %get3A_1353 : vector<1x16xf32> to vector<16xf32>
    %add3A_1355 = arith.addf %get3A_1349, %get3A_1354 : vector<16xf32>
    %get3A_1356 = arith.constant 1 : i32
    %get3A_1357 = arith.index_cast %get3A_1356 : i32 to index
    %get3A_1358 = arith.constant 384 : index
    %get3A_1359 = tpu.vector_load %arg9[%get3A_1357, %get3A_1358] {strides = array<i32>} : memref<6x512xf32, #tpu.memory_space<vmem>>, vector<1x16xf32>,
    %get3A_1360 = vector.shape_cast %get3A_1359 : vector<1x16xf32> to vector<16xf32>
    %add3A_1361 = arith.addf %add3A_1355, %get3A_1360 : vector<16xf32>
    %get3A_1362 = arith.constant 2 : i32
    %get3A_1363 = arith.index_cast %get3A_1362 : i32 to index
    %get3A_1364 = arith.constant 384 : index
    %get3A_1365 = tpu.vector_load %arg9[%get3A_1363, %get3A_1364] {strides = array<i32>} : memref<6x512xf32, #tpu.memory_space<vmem>>, vector<1x16xf32>,
    %get3A_1366 = vector.shape_cast %get3A_1365 : vector<1x16xf32> to vector<16xf32>
    %add3A_1367 = arith.addf %add3A_1361, %get3A_1366 : vector<16xf32>
    %get3A_1368 = arith.constant 3 : i32
    %get3A_1369 = arith.index_cast %get3A_1368 : i32 to index
    %get3A_1370 = arith.constant 384 : index
    %get3A_1371 = tpu.vector_load %arg9[%get3A_1369, %get3A_1370] {strides = array<i32>} : memref<6x512xf32, #tpu.memory_space<vmem>>, vector<1x16xf32>,
    %get3A_1372 = vector.shape_cast %get3A_1371 : vector<1x16xf32> to vector<16xf32>
    %add3A_1373 = arith.addf %add3A_1367, %get3A_1372 : vector<16xf32>
    %get3A_1374 = arith.constant 4 : i32
    %get3A_1375 = arith.index_cast %get3A_1374 : i32 to index
    %get3A_1376 = arith.constant 384 : index
    %get3A_1377 = tpu.vector_load %arg9[%get3A_1375, %get3A_1376] {strides = array<i32>} : memref<6x512xf32, #tpu.memory_space<vmem>>, vector<1x16xf32>,
    %get3A_1378 = vector.shape_cast %get3A_1377 : vector<1x16xf32> to vector<16xf32>
    %add3A_1379 = arith.addf %add3A_1373, %get3A_1378 : vector<16xf32>
    %get3A_1380 = arith.constant 5 : i32
    %get3A_1381 = arith.index_cast %get3A_1380 : i32 to index
    %get3A_1382 = arith.constant 384 : index
    %get3A_1383 = tpu.vector_load %arg9[%get3A_1381, %get3A_1382] {strides = array<i32>} : memref<6x512xf32, #tpu.memory_space<vmem>>, vector<1x16xf32>,
    %get3A_1384 = vector.shape_cast %get3A_1383 : vector<1x16xf32> to vector<16xf32>
    %add3A_1385 = arith.addf %add3A_1379, %get3A_1384 : vector<16xf32>
    %swap3A_1386 = arith.constant 384 : index
    %swap3A_1387 = tpu.vector_load %arg12[%swap3A_1386] {strides = array<i32>} : memref<512xf32, #tpu.memory_space<vmem>>, vector<16xf32>,
    %swap3A_1388 = vector.shape_cast %swap3A_1387 : vector<16xf32> to vector<16xf32>
    %swap3A_1389 = vector.shape_cast %add3A_1385 : vector<16xf32> to vector<16xf32>
    tpu.vector_store %arg12[%swap3A_1386], %swap3A_1389 {strides = array<i32>} : memref<512xf32, #tpu.memory_space<vmem>>, vector<16xf32>,
    %get3A_1390 = arith.constant 0 : i32
    %get3A_1391 = arith.index_cast %get3A_1390 : i32 to index
    %get3A_1392 = arith.constant 400 : index
    %get3A_1393 = tpu.vector_load %arg10[%get3A_1391, %get3A_1392] {strides = array<i32>} : memref<1x512xf32, #tpu.memory_space<vmem>>, vector<1x16xf32>,
    %get3A_1394 = vector.shape_cast %get3A_1393 : vector<1x16xf32> to vector<16xf32>
    %get3A_1395 = arith.constant 0 : i32
    %get3A_1396 = arith.index_cast %get3A_1395 : i32 to index
    %get3A_1397 = arith.constant 400 : index
    %get3A_1398 = tpu.vector_load %arg9[%get3A_1396, %get3A_1397] {strides = array<i32>} : memref<6x512xf32, #tpu.memory_space<vmem>>, vector<1x16xf32>,
    %get3A_1399 = vector.shape_cast %get3A_1398 : vector<1x16xf32> to vector<16xf32>
    %add3A_1400 = arith.addf %get3A_1394, %get3A_1399 : vector<16xf32>
    %get3A_1401 = arith.constant 1 : i32
    %get3A_1402 = arith.index_cast %get3A_1401 : i32 to index
    %get3A_1403 = arith.constant 400 : index
    %get3A_1404 = tpu.vector_load %arg9[%get3A_1402, %get3A_1403] {strides = array<i32>} : memref<6x512xf32, #tpu.memory_space<vmem>>, vector<1x16xf32>,
    %get3A_1405 = vector.shape_cast %get3A_1404 : vector<1x16xf32> to vector<16xf32>
    %add3A_1406 = arith.addf %add3A_1400, %get3A_1405 : vector<16xf32>
    %get3A_1407 = arith.constant 2 : i32
    %get3A_1408 = arith.index_cast %get3A_1407 : i32 to index
    %get3A_1409 = arith.constant 400 : index
    %get3A_1410 = tpu.vector_load %arg9[%get3A_1408, %get3A_1409] {strides = array<i32>} : memref<6x512xf32, #tpu.memory_space<vmem>>, vector<1x16xf32>,
    %get3A_1411 = vector.shape_cast %get3A_1410 : vector<1x16xf32> to vector<16xf32>
    %add3A_1412 = arith.addf %add3A_1406, %get3A_1411 : vector<16xf32>
    %get3A_1413 = arith.constant 3 : i32
    %get3A_1414 = arith.index_cast %get3A_1413 : i32 to index
    %get3A_1415 = arith.constant 400 : index
    %get3A_1416 = tpu.vector_load %arg9[%get3A_1414, %get3A_1415] {strides = array<i32>} : memref<6x512xf32, #tpu.memory_space<vmem>>, vector<1x16xf32>,
    %get3A_1417 = vector.shape_cast %get3A_1416 : vector<1x16xf32> to vector<16xf32>
    %add3A_1418 = arith.addf %add3A_1412, %get3A_1417 : vector<16xf32>
    %get3A_1419 = arith.constant 4 : i32
    %get3A_1420 = arith.index_cast %get3A_1419 : i32 to index
    %get3A_1421 = arith.constant 400 : index
    %get3A_1422 = tpu.vector_load %arg9[%get3A_1420, %get3A_1421] {strides = array<i32>} : memref<6x512xf32, #tpu.memory_space<vmem>>, vector<1x16xf32>,
    %get3A_1423 = vector.shape_cast %get3A_1422 : vector<1x16xf32> to vector<16xf32>
    %add3A_1424 = arith.addf %add3A_1418, %get3A_1423 : vector<16xf32>
    %get3A_1425 = arith.constant 5 : i32
    %get3A_1426 = arith.index_cast %get3A_1425 : i32 to index
    %get3A_1427 = arith.constant 400 : index
    %get3A_1428 = tpu.vector_load %arg9[%get3A_1426, %get3A_1427] {strides = array<i32>} : memref<6x512xf32, #tpu.memory_space<vmem>>, vector<1x16xf32>,
    %get3A_1429 = vector.shape_cast %get3A_1428 : vector<1x16xf32> to vector<16xf32>
    %add3A_1430 = arith.addf %add3A_1424, %get3A_1429 : vector<16xf32>
    %swap3A_1431 = arith.constant 400 : index
    %swap3A_1432 = tpu.vector_load %arg12[%swap3A_1431] {strides = array<i32>} : memref<512xf32, #tpu.memory_space<vmem>>, vector<16xf32>,
    %swap3A_1433 = vector.shape_cast %swap3A_1432 : vector<16xf32> to vector<16xf32>
    %swap3A_1434 = vector.shape_cast %add3A_1430 : vector<16xf32> to vector<16xf32>
    tpu.vector_store %arg12[%swap3A_1431], %swap3A_1434 {strides = array<i32>} : memref<512xf32, #tpu.memory_space<vmem>>, vector<16xf32>,
    %get3A_1435 = arith.constant 0 : i32
    %get3A_1436 = arith.index_cast %get3A_1435 : i32 to index
    %get3A_1437 = arith.constant 416 : index
    %get3A_1438 = tpu.vector_load %arg10[%get3A_1436, %get3A_1437] {strides = array<i32>} : memref<1x512xf32, #tpu.memory_space<vmem>>, vector<1x16xf32>,
    %get3A_1439 = vector.shape_cast %get3A_1438 : vector<1x16xf32> to vector<16xf32>
    %get3A_1440 = arith.constant 0 : i32
    %get3A_1441 = arith.index_cast %get3A_1440 : i32 to index
    %get3A_1442 = arith.constant 416 : index
    %get3A_1443 = tpu.vector_load %arg9[%get3A_1441, %get3A_1442] {strides = array<i32>} : memref<6x512xf32, #tpu.memory_space<vmem>>, vector<1x16xf32>,
    %get3A_1444 = vector.shape_cast %get3A_1443 : vector<1x16xf32> to vector<16xf32>
    %add3A_1445 = arith.addf %get3A_1439, %get3A_1444 : vector<16xf32>
    %get3A_1446 = arith.constant 1 : i32
    %get3A_1447 = arith.index_cast %get3A_1446 : i32 to index
    %get3A_1448 = arith.constant 416 : index
    %get3A_1449 = tpu.vector_load %arg9[%get3A_1447, %get3A_1448] {strides = array<i32>} : memref<6x512xf32, #tpu.memory_space<vmem>>, vector<1x16xf32>,
    %get3A_1450 = vector.shape_cast %get3A_1449 : vector<1x16xf32> to vector<16xf32>
    %add3A_1451 = arith.addf %add3A_1445, %get3A_1450 : vector<16xf32>
    %get3A_1452 = arith.constant 2 : i32
    %get3A_1453 = arith.index_cast %get3A_1452 : i32 to index
    %get3A_1454 = arith.constant 416 : index
    %get3A_1455 = tpu.vector_load %arg9[%get3A_1453, %get3A_1454] {strides = array<i32>} : memref<6x512xf32, #tpu.memory_space<vmem>>, vector<1x16xf32>,
    %get3A_1456 = vector.shape_cast %get3A_1455 : vector<1x16xf32> to vector<16xf32>
    %add3A_1457 = arith.addf %add3A_1451, %get3A_1456 : vector<16xf32>
    %get3A_1458 = arith.constant 3 : i32
    %get3A_1459 = arith.index_cast %get3A_1458 : i32 to index
    %get3A_1460 = arith.constant 416 : index
    %get3A_1461 = tpu.vector_load %arg9[%get3A_1459, %get3A_1460] {strides = array<i32>} : memref<6x512xf32, #tpu.memory_space<vmem>>, vector<1x16xf32>,
    %get3A_1462 = vector.shape_cast %get3A_1461 : vector<1x16xf32> to vector<16xf32>
    %add3A_1463 = arith.addf %add3A_1457, %get3A_1462 : vector<16xf32>
    %get3A_1464 = arith.constant 4 : i32
    %get3A_1465 = arith.index_cast %get3A_1464 : i32 to index
    %get3A_1466 = arith.constant 416 : index
    %get3A_1467 = tpu.vector_load %arg9[%get3A_1465, %get3A_1466] {strides = array<i32>} : memref<6x512xf32, #tpu.memory_space<vmem>>, vector<1x16xf32>,
    %get3A_1468 = vector.shape_cast %get3A_1467 : vector<1x16xf32> to vector<16xf32>
    %add3A_1469 = arith.addf %add3A_1463, %get3A_1468 : vector<16xf32>
    %get3A_1470 = arith.constant 5 : i32
    %get3A_1471 = arith.index_cast %get3A_1470 : i32 to index
    %get3A_1472 = arith.constant 416 : index
    %get3A_1473 = tpu.vector_load %arg9[%get3A_1471, %get3A_1472] {strides = array<i32>} : memref<6x512xf32, #tpu.memory_space<vmem>>, vector<1x16xf32>,
    %get3A_1474 = vector.shape_cast %get3A_1473 : vector<1x16xf32> to vector<16xf32>
    %add3A_1475 = arith.addf %add3A_1469, %get3A_1474 : vector<16xf32>
    %swap3A_1476 = arith.constant 416 : index
    %swap3A_1477 = tpu.vector_load %arg12[%swap3A_1476] {strides = array<i32>} : memref<512xf32, #tpu.memory_space<vmem>>, vector<16xf32>,
    %swap3A_1478 = vector.shape_cast %swap3A_1477 : vector<16xf32> to vector<16xf32>
    %swap3A_1479 = vector.shape_cast %add3A_1475 : vector<16xf32> to vector<16xf32>
    tpu.vector_store %arg12[%swap3A_1476], %swap3A_1479 {strides = array<i32>} : memref<512xf32, #tpu.memory_space<vmem>>, vector<16xf32>,
    %get3A_1480 = arith.constant 0 : i32
    %get3A_1481 = arith.index_cast %get3A_1480 : i32 to index
    %get3A_1482 = arith.constant 432 : index
    %get3A_1483 = tpu.vector_load %arg10[%get3A_1481, %get3A_1482] {strides = array<i32>} : memref<1x512xf32, #tpu.memory_space<vmem>>, vector<1x16xf32>,
    %get3A_1484 = vector.shape_cast %get3A_1483 : vector<1x16xf32> to vector<16xf32>
    %get3A_1485 = arith.constant 0 : i32
    %get3A_1486 = arith.index_cast %get3A_1485 : i32 to index
    %get3A_1487 = arith.constant 432 : index
    %get3A_1488 = tpu.vector_load %arg9[%get3A_1486, %get3A_1487] {strides = array<i32>} : memref<6x512xf32, #tpu.memory_space<vmem>>, vector<1x16xf32>,
    %get3A_1489 = vector.shape_cast %get3A_1488 : vector<1x16xf32> to vector<16xf32>
    %add3A_1490 = arith.addf %get3A_1484, %get3A_1489 : vector<16xf32>
    %get3A_1491 = arith.constant 1 : i32
    %get3A_1492 = arith.index_cast %get3A_1491 : i32 to index
    %get3A_1493 = arith.constant 432 : index
    %get3A_1494 = tpu.vector_load %arg9[%get3A_1492, %get3A_1493] {strides = array<i32>} : memref<6x512xf32, #tpu.memory_space<vmem>>, vector<1x16xf32>,
    %get3A_1495 = vector.shape_cast %get3A_1494 : vector<1x16xf32> to vector<16xf32>
    %add3A_1496 = arith.addf %add3A_1490, %get3A_1495 : vector<16xf32>
    %get3A_1497 = arith.constant 2 : i32
    %get3A_1498 = arith.index_cast %get3A_1497 : i32 to index
    %get3A_1499 = arith.constant 432 : index
    %get3A_1500 = tpu.vector_load %arg9[%get3A_1498, %get3A_1499] {strides = array<i32>} : memref<6x512xf32, #tpu.memory_space<vmem>>, vector<1x16xf32>,
    %get3A_1501 = vector.shape_cast %get3A_1500 : vector<1x16xf32> to vector<16xf32>
    %add3A_1502 = arith.addf %add3A_1496, %get3A_1501 : vector<16xf32>
    %get3A_1503 = arith.constant 3 : i32
    %get3A_1504 = arith.index_cast %get3A_1503 : i32 to index
    %get3A_1505 = arith.constant 432 : index
    %get3A_1506 = tpu.vector_load %arg9[%get3A_1504, %get3A_1505] {strides = array<i32>} : memref<6x512xf32, #tpu.memory_space<vmem>>, vector<1x16xf32>,
    %get3A_1507 = vector.shape_cast %get3A_1506 : vector<1x16xf32> to vector<16xf32>
    %add3A_1508 = arith.addf %add3A_1502, %get3A_1507 : vector<16xf32>
    %get3A_1509 = arith.constant 4 : i32
    %get3A_1510 = arith.index_cast %get3A_1509 : i32 to index
    %get3A_1511 = arith.constant 432 : index
    %get3A_1512 = tpu.vector_load %arg9[%get3A_1510, %get3A_1511] {strides = array<i32>} : memref<6x512xf32, #tpu.memory_space<vmem>>, vector<1x16xf32>,
    %get3A_1513 = vector.shape_cast %get3A_1512 : vector<1x16xf32> to vector<16xf32>
    %add3A_1514 = arith.addf %add3A_1508, %get3A_1513 : vector<16xf32>
    %get3A_1515 = arith.constant 5 : i32
    %get3A_1516 = arith.index_cast %get3A_1515 : i32 to index
    %get3A_1517 = arith.constant 432 : index
    %get3A_1518 = tpu.vector_load %arg9[%get3A_1516, %get3A_1517] {strides = array<i32>} : memref<6x512xf32, #tpu.memory_space<vmem>>, vector<1x16xf32>,
    %get3A_1519 = vector.shape_cast %get3A_1518 : vector<1x16xf32> to vector<16xf32>
    %add3A_1520 = arith.addf %add3A_1514, %get3A_1519 : vector<16xf32>
    %swap3A_1521 = arith.constant 432 : index
    %swap3A_1522 = tpu.vector_load %arg12[%swap3A_1521] {strides = array<i32>} : memref<512xf32, #tpu.memory_space<vmem>>, vector<16xf32>,
    %swap3A_1523 = vector.shape_cast %swap3A_1522 : vector<16xf32> to vector<16xf32>
    %swap3A_1524 = vector.shape_cast %add3A_1520 : vector<16xf32> to vector<16xf32>
    tpu.vector_store %arg12[%swap3A_1521], %swap3A_1524 {strides = array<i32>} : memref<512xf32, #tpu.memory_space<vmem>>, vector<16xf32>,
    %get3A_1525 = arith.constant 0 : i32
    %get3A_1526 = arith.index_cast %get3A_1525 : i32 to index
    %get3A_1527 = arith.constant 448 : index
    %get3A_1528 = tpu.vector_load %arg10[%get3A_1526, %get3A_1527] {strides = array<i32>} : memref<1x512xf32, #tpu.memory_space<vmem>>, vector<1x16xf32>,
    %get3A_1529 = vector.shape_cast %get3A_1528 : vector<1x16xf32> to vector<16xf32>
    %get3A_1530 = arith.constant 0 : i32
    %get3A_1531 = arith.index_cast %get3A_1530 : i32 to index
    %get3A_1532 = arith.constant 448 : index
    %get3A_1533 = tpu.vector_load %arg9[%get3A_1531, %get3A_1532] {strides = array<i32>} : memref<6x512xf32, #tpu.memory_space<vmem>>, vector<1x16xf32>,
    %get3A_1534 = vector.shape_cast %get3A_1533 : vector<1x16xf32> to vector<16xf32>
    %add3A_1535 = arith.addf %get3A_1529, %get3A_1534 : vector<16xf32>
    %get3A_1536 = arith.constant 1 : i32
    %get3A_1537 = arith.index_cast %get3A_1536 : i32 to index
    %get3A_1538 = arith.constant 448 : index
    %get3A_1539 = tpu.vector_load %arg9[%get3A_1537, %get3A_1538] {strides = array<i32>} : memref<6x512xf32, #tpu.memory_space<vmem>>, vector<1x16xf32>,
    %get3A_1540 = vector.shape_cast %get3A_1539 : vector<1x16xf32> to vector<16xf32>
    %add3A_1541 = arith.addf %add3A_1535, %get3A_1540 : vector<16xf32>
    %get3A_1542 = arith.constant 2 : i32
    %get3A_1543 = arith.index_cast %get3A_1542 : i32 to index
    %get3A_1544 = arith.constant 448 : index
    %get3A_1545 = tpu.vector_load %arg9[%get3A_1543, %get3A_1544] {strides = array<i32>} : memref<6x512xf32, #tpu.memory_space<vmem>>, vector<1x16xf32>,
    %get3A_1546 = vector.shape_cast %get3A_1545 : vector<1x16xf32> to vector<16xf32>
    %add3A_1547 = arith.addf %add3A_1541, %get3A_1546 : vector<16xf32>
    %get3A_1548 = arith.constant 3 : i32
    %get3A_1549 = arith.index_cast %get3A_1548 : i32 to index
    %get3A_1550 = arith.constant 448 : index
    %get3A_1551 = tpu.vector_load %arg9[%get3A_1549, %get3A_1550] {strides = array<i32>} : memref<6x512xf32, #tpu.memory_space<vmem>>, vector<1x16xf32>,
    %get3A_1552 = vector.shape_cast %get3A_1551 : vector<1x16xf32> to vector<16xf32>
    %add3A_1553 = arith.addf %add3A_1547, %get3A_1552 : vector<16xf32>
    %get3A_1554 = arith.constant 4 : i32
    %get3A_1555 = arith.index_cast %get3A_1554 : i32 to index
    %get3A_1556 = arith.constant 448 : index
    %get3A_1557 = tpu.vector_load %arg9[%get3A_1555, %get3A_1556] {strides = array<i32>} : memref<6x512xf32, #tpu.memory_space<vmem>>, vector<1x16xf32>,
    %get3A_1558 = vector.shape_cast %get3A_1557 : vector<1x16xf32> to vector<16xf32>
    %add3A_1559 = arith.addf %add3A_1553, %get3A_1558 : vector<16xf32>
    %get3A_1560 = arith.constant 5 : i32
    %get3A_1561 = arith.index_cast %get3A_1560 : i32 to index
    %get3A_1562 = arith.constant 448 : index
    %get3A_1563 = tpu.vector_load %arg9[%get3A_1561, %get3A_1562] {strides = array<i32>} : memref<6x512xf32, #tpu.memory_space<vmem>>, vector<1x16xf32>,
    %get3A_1564 = vector.shape_cast %get3A_1563 : vector<1x16xf32> to vector<16xf32>
    %add3A_1565 = arith.addf %add3A_1559, %get3A_1564 : vector<16xf32>
    %swap3A_1566 = arith.constant 448 : index
    %swap3A_1567 = tpu.vector_load %arg12[%swap3A_1566] {strides = array<i32>} : memref<512xf32, #tpu.memory_space<vmem>>, vector<16xf32>,
    %swap3A_1568 = vector.shape_cast %swap3A_1567 : vector<16xf32> to vector<16xf32>
    %swap3A_1569 = vector.shape_cast %add3A_1565 : vector<16xf32> to vector<16xf32>
    tpu.vector_store %arg12[%swap3A_1566], %swap3A_1569 {strides = array<i32>} : memref<512xf32, #tpu.memory_space<vmem>>, vector<16xf32>,
    %get3A_1570 = arith.constant 0 : i32
    %get3A_1571 = arith.index_cast %get3A_1570 : i32 to index
    %get3A_1572 = arith.constant 464 : index
    %get3A_1573 = tpu.vector_load %arg10[%get3A_1571, %get3A_1572] {strides = array<i32>} : memref<1x512xf32, #tpu.memory_space<vmem>>, vector<1x16xf32>,
    %get3A_1574 = vector.shape_cast %get3A_1573 : vector<1x16xf32> to vector<16xf32>
    %get3A_1575 = arith.constant 0 : i32
    %get3A_1576 = arith.index_cast %get3A_1575 : i32 to index
    %get3A_1577 = arith.constant 464 : index
    %get3A_1578 = tpu.vector_load %arg9[%get3A_1576, %get3A_1577] {strides = array<i32>} : memref<6x512xf32, #tpu.memory_space<vmem>>, vector<1x16xf32>,
    %get3A_1579 = vector.shape_cast %get3A_1578 : vector<1x16xf32> to vector<16xf32>
    %add3A_1580 = arith.addf %get3A_1574, %get3A_1579 : vector<16xf32>
    %get3A_1581 = arith.constant 1 : i32
    %get3A_1582 = arith.index_cast %get3A_1581 : i32 to index
    %get3A_1583 = arith.constant 464 : index
    %get3A_1584 = tpu.vector_load %arg9[%get3A_1582, %get3A_1583] {strides = array<i32>} : memref<6x512xf32, #tpu.memory_space<vmem>>, vector<1x16xf32>,
    %get3A_1585 = vector.shape_cast %get3A_1584 : vector<1x16xf32> to vector<16xf32>
    %add3A_1586 = arith.addf %add3A_1580, %get3A_1585 : vector<16xf32>
    %get3A_1587 = arith.constant 2 : i32
    %get3A_1588 = arith.index_cast %get3A_1587 : i32 to index
    %get3A_1589 = arith.constant 464 : index
    %get3A_1590 = tpu.vector_load %arg9[%get3A_1588, %get3A_1589] {strides = array<i32>} : memref<6x512xf32, #tpu.memory_space<vmem>>, vector<1x16xf32>,
    %get3A_1591 = vector.shape_cast %get3A_1590 : vector<1x16xf32> to vector<16xf32>
    %add3A_1592 = arith.addf %add3A_1586, %get3A_1591 : vector<16xf32>
    %get3A_1593 = arith.constant 3 : i32
    %get3A_1594 = arith.index_cast %get3A_1593 : i32 to index
    %get3A_1595 = arith.constant 464 : index
    %get3A_1596 = tpu.vector_load %arg9[%get3A_1594, %get3A_1595] {strides = array<i32>} : memref<6x512xf32, #tpu.memory_space<vmem>>, vector<1x16xf32>,
    %get3A_1597 = vector.shape_cast %get3A_1596 : vector<1x16xf32> to vector<16xf32>
    %add3A_1598 = arith.addf %add3A_1592, %get3A_1597 : vector<16xf32>
    %get3A_1599 = arith.constant 4 : i32
    %get3A_1600 = arith.index_cast %get3A_1599 : i32 to index
    %get3A_1601 = arith.constant 464 : index
    %get3A_1602 = tpu.vector_load %arg9[%get3A_1600, %get3A_1601] {strides = array<i32>} : memref<6x512xf32, #tpu.memory_space<vmem>>, vector<1x16xf32>,
    %get3A_1603 = vector.shape_cast %get3A_1602 : vector<1x16xf32> to vector<16xf32>
    %add3A_1604 = arith.addf %add3A_1598, %get3A_1603 : vector<16xf32>
    %get3A_1605 = arith.constant 5 : i32
    %get3A_1606 = arith.index_cast %get3A_1605 : i32 to index
    %get3A_1607 = arith.constant 464 : index
    %get3A_1608 = tpu.vector_load %arg9[%get3A_1606, %get3A_1607] {strides = array<i32>} : memref<6x512xf32, #tpu.memory_space<vmem>>, vector<1x16xf32>,
    %get3A_1609 = vector.shape_cast %get3A_1608 : vector<1x16xf32> to vector<16xf32>
    %add3A_1610 = arith.addf %add3A_1604, %get3A_1609 : vector<16xf32>
    %swap3A_1611 = arith.constant 464 : index
    %swap3A_1612 = tpu.vector_load %arg12[%swap3A_1611] {strides = array<i32>} : memref<512xf32, #tpu.memory_space<vmem>>, vector<16xf32>,
    %swap3A_1613 = vector.shape_cast %swap3A_1612 : vector<16xf32> to vector<16xf32>
    %swap3A_1614 = vector.shape_cast %add3A_1610 : vector<16xf32> to vector<16xf32>
    tpu.vector_store %arg12[%swap3A_1611], %swap3A_1614 {strides = array<i32>} : memref<512xf32, #tpu.memory_space<vmem>>, vector<16xf32>,
    %get3A_1615 = arith.constant 0 : i32
    %get3A_1616 = arith.index_cast %get3A_1615 : i32 to index
    %get3A_1617 = arith.constant 480 : index
    %get3A_1618 = tpu.vector_load %arg10[%get3A_1616, %get3A_1617] {strides = array<i32>} : memref<1x512xf32, #tpu.memory_space<vmem>>, vector<1x16xf32>,
    %get3A_1619 = vector.shape_cast %get3A_1618 : vector<1x16xf32> to vector<16xf32>
    %get3A_1620 = arith.constant 0 : i32
    %get3A_1621 = arith.index_cast %get3A_1620 : i32 to index
    %get3A_1622 = arith.constant 480 : index
    %get3A_1623 = tpu.vector_load %arg9[%get3A_1621, %get3A_1622] {strides = array<i32>} : memref<6x512xf32, #tpu.memory_space<vmem>>, vector<1x16xf32>,
    %get3A_1624 = vector.shape_cast %get3A_1623 : vector<1x16xf32> to vector<16xf32>
    %add3A_1625 = arith.addf %get3A_1619, %get3A_1624 : vector<16xf32>
    %get3A_1626 = arith.constant 1 : i32
    %get3A_1627 = arith.index_cast %get3A_1626 : i32 to index
    %get3A_1628 = arith.constant 480 : index
    %get3A_1629 = tpu.vector_load %arg9[%get3A_1627, %get3A_1628] {strides = array<i32>} : memref<6x512xf32, #tpu.memory_space<vmem>>, vector<1x16xf32>,
    %get3A_1630 = vector.shape_cast %get3A_1629 : vector<1x16xf32> to vector<16xf32>
    %add3A_1631 = arith.addf %add3A_1625, %get3A_1630 : vector<16xf32>
    %get3A_1632 = arith.constant 2 : i32
    %get3A_1633 = arith.index_cast %get3A_1632 : i32 to index
    %get3A_1634 = arith.constant 480 : index
    %get3A_1635 = tpu.vector_load %arg9[%get3A_1633, %get3A_1634] {strides = array<i32>} : memref<6x512xf32, #tpu.memory_space<vmem>>, vector<1x16xf32>,
    %get3A_1636 = vector.shape_cast %get3A_1635 : vector<1x16xf32> to vector<16xf32>
    %add3A_1637 = arith.addf %add3A_1631, %get3A_1636 : vector<16xf32>
    %get3A_1638 = arith.constant 3 : i32
    %get3A_1639 = arith.index_cast %get3A_1638 : i32 to index
    %get3A_1640 = arith.constant 480 : index
    %get3A_1641 = tpu.vector_load %arg9[%get3A_1639, %get3A_1640] {strides = array<i32>} : memref<6x512xf32, #tpu.memory_space<vmem>>, vector<1x16xf32>,
    %get3A_1642 = vector.shape_cast %get3A_1641 : vector<1x16xf32> to vector<16xf32>
    %add3A_1643 = arith.addf %add3A_1637, %get3A_1642 : vector<16xf32>
    %get3A_1644 = arith.constant 4 : i32
    %get3A_1645 = arith.index_cast %get3A_1644 : i32 to index
    %get3A_1646 = arith.constant 480 : index
    %get3A_1647 = tpu.vector_load %arg9[%get3A_1645, %get3A_1646] {strides = array<i32>} : memref<6x512xf32, #tpu.memory_space<vmem>>, vector<1x16xf32>,
    %get3A_1648 = vector.shape_cast %get3A_1647 : vector<1x16xf32> to vector<16xf32>
    %add3A_1649 = arith.addf %add3A_1643, %get3A_1648 : vector<16xf32>
    %get3A_1650 = arith.constant 5 : i32
    %get3A_1651 = arith.index_cast %get3A_1650 : i32 to index
    %get3A_1652 = arith.constant 480 : index
    %get3A_1653 = tpu.vector_load %arg9[%get3A_1651, %get3A_1652] {strides = array<i32>} : memref<6x512xf32, #tpu.memory_space<vmem>>, vector<1x16xf32>,
    %get3A_1654 = vector.shape_cast %get3A_1653 : vector<1x16xf32> to vector<16xf32>
    %add3A_1655 = arith.addf %add3A_1649, %get3A_1654 : vector<16xf32>
    %swap3A_1656 = arith.constant 480 : index
    %swap3A_1657 = tpu.vector_load %arg12[%swap3A_1656] {strides = array<i32>} : memref<512xf32, #tpu.memory_space<vmem>>, vector<16xf32>,
    %swap3A_1658 = vector.shape_cast %swap3A_1657 : vector<16xf32> to vector<16xf32>
    %swap3A_1659 = vector.shape_cast %add3A_1655 : vector<16xf32> to vector<16xf32>
    tpu.vector_store %arg12[%swap3A_1656], %swap3A_1659 {strides = array<i32>} : memref<512xf32, #tpu.memory_space<vmem>>, vector<16xf32>,
    %get3A_1660 = arith.constant 0 : i32
    %get3A_1661 = arith.index_cast %get3A_1660 : i32 to index
    %get3A_1662 = arith.constant 496 : index
    %get3A_1663 = tpu.vector_load %arg10[%get3A_1661, %get3A_1662] {strides = array<i32>} : memref<1x512xf32, #tpu.memory_space<vmem>>, vector<1x16xf32>,
    %get3A_1664 = vector.shape_cast %get3A_1663 : vector<1x16xf32> to vector<16xf32>
    %get3A_1665 = arith.constant 0 : i32
    %get3A_1666 = arith.index_cast %get3A_1665 : i32 to index
    %get3A_1667 = arith.constant 496 : index
    %get3A_1668 = tpu.vector_load %arg9[%get3A_1666, %get3A_1667] {strides = array<i32>} : memref<6x512xf32, #tpu.memory_space<vmem>>, vector<1x16xf32>,
    %get3A_1669 = vector.shape_cast %get3A_1668 : vector<1x16xf32> to vector<16xf32>
    %add3A_1670 = arith.addf %get3A_1664, %get3A_1669 : vector<16xf32>
    %get3A_1671 = arith.constant 1 : i32
    %get3A_1672 = arith.index_cast %get3A_1671 : i32 to index
    %get3A_1673 = arith.constant 496 : index
    %get3A_1674 = tpu.vector_load %arg9[%get3A_1672, %get3A_1673] {strides = array<i32>} : memref<6x512xf32, #tpu.memory_space<vmem>>, vector<1x16xf32>,
    %get3A_1675 = vector.shape_cast %get3A_1674 : vector<1x16xf32> to vector<16xf32>
    %add3A_1676 = arith.addf %add3A_1670, %get3A_1675 : vector<16xf32>
    %get3A_1677 = arith.constant 2 : i32
    %get3A_1678 = arith.index_cast %get3A_1677 : i32 to index
    %get3A_1679 = arith.constant 496 : index
    %get3A_1680 = tpu.vector_load %arg9[%get3A_1678, %get3A_1679] {strides = array<i32>} : memref<6x512xf32, #tpu.memory_space<vmem>>, vector<1x16xf32>,
    %get3A_1681 = vector.shape_cast %get3A_1680 : vector<1x16xf32> to vector<16xf32>
    %add3A_1682 = arith.addf %add3A_1676, %get3A_1681 : vector<16xf32>
    %get3A_1683 = arith.constant 3 : i32
    %get3A_1684 = arith.index_cast %get3A_1683 : i32 to index
    %get3A_1685 = arith.constant 496 : index
    %get3A_1686 = tpu.vector_load %arg9[%get3A_1684, %get3A_1685] {strides = array<i32>} : memref<6x512xf32, #tpu.memory_space<vmem>>, vector<1x16xf32>,
    %get3A_1687 = vector.shape_cast %get3A_1686 : vector<1x16xf32> to vector<16xf32>
    %add3A_1688 = arith.addf %add3A_1682, %get3A_1687 : vector<16xf32>
    %get3A_1689 = arith.constant 4 : i32
    %get3A_1690 = arith.index_cast %get3A_1689 : i32 to index
    %get3A_1691 = arith.constant 496 : index
    %get3A_1692 = tpu.vector_load %arg9[%get3A_1690, %get3A_1691] {strides = array<i32>} : memref<6x512xf32, #tpu.memory_space<vmem>>, vector<1x16xf32>,
    %get3A_1693 = vector.shape_cast %get3A_1692 : vector<1x16xf32> to vector<16xf32>
    %add3A_1694 = arith.addf %add3A_1688, %get3A_1693 : vector<16xf32>
    %get3A_1695 = arith.constant 5 : i32
    %get3A_1696 = arith.index_cast %get3A_1695 : i32 to index
    %get3A_1697 = arith.constant 496 : index
    %get3A_1698 = tpu.vector_load %arg9[%get3A_1696, %get3A_1697] {strides = array<i32>} : memref<6x512xf32, #tpu.memory_space<vmem>>, vector<1x16xf32>,
    %get3A_1699 = vector.shape_cast %get3A_1698 : vector<1x16xf32> to vector<16xf32>
    %add3A_1700 = arith.addf %add3A_1694, %get3A_1699 : vector<16xf32>
    %swap3A_1701 = arith.constant 496 : index
    %swap3A_1702 = tpu.vector_load %arg12[%swap3A_1701] {strides = array<i32>} : memref<512xf32, #tpu.memory_space<vmem>>, vector<16xf32>,
    %swap3A_1703 = vector.shape_cast %swap3A_1702 : vector<16xf32> to vector<16xf32>
    %swap3A_1704 = vector.shape_cast %add3A_1700 : vector<16xf32> to vector<16xf32>
    tpu.vector_store %arg12[%swap3A_1701], %swap3A_1704 {strides = array<i32>} : memref<512xf32, #tpu.memory_space<vmem>>, vector<16xf32>,
    %mul3A_1705 = arith.constant 512 : i32
    %mul3A_1706 = arith.muli %add3A, %mul3A_1705 : i32
    "tpu.region"() ({
      %run_scoped3A = tpu.sem_alloc : memref<!tpu.dma_semaphore, #tpu.memory_space<semaphore_mem>>
      %dma_start3A_1707 = tpu.memref_slice %arg6[%mul3A_1706] : memref<16384xf32, #tpu.memory_space<hbm>> -> memref<512xf32, #tpu.memory_space<hbm>>
      %dma_start3A_1708 = tpu.memref_slice %arg6[%mul3A_1706] : memref<16384xf32, #tpu.memory_space<hbm>> -> memref<512xf32, #tpu.memory_space<hbm>>
      tpu.enqueue_dma source(%arg12 : memref<512xf32, #tpu.memory_space<vmem>>) target(%dma_start3A_1708 : memref<512xf32, #tpu.memory_space<hbm>>) target_semaphore(%run_scoped3A : memref<!tpu.dma_semaphore, #tpu.memory_space<semaphore_mem>>)
      %dma_wait3A_1709 = tpu.memref_slice %arg6[%mul3A_1706] : memref<16384xf32, #tpu.memory_space<hbm>> -> memref<512xf32, #tpu.memory_space<hbm>>
      %dma_wait3A_1710 = tpu.memref_slice %arg6[%mul3A_1706] : memref<16384xf32, #tpu.memory_space<hbm>> -> memref<512xf32, #tpu.memory_space<hbm>>
      tpu.wait_dma2 semaphore(%run_scoped3A : memref<!tpu.dma_semaphore, #tpu.memory_space<semaphore_mem>>) src(%arg12 : memref<512xf32, #tpu.memory_space<vmem>>) dst(%dma_wait3A_1710 : memref<512xf32, #tpu.memory_space<hbm>>)
      tpu.yield
    }) : () -> ()
    return
  }
}

</mosaic_0001>

<sc_bundles>
// kernel: kernel.3.cloned.1.call-start
scs
__scs_entry_jumppad:
0x0: {  	(pc) =	sbr.rel $0x88, $3  }
0x1: {  	(tag) =	ssettag $0x0;
	lr =	simm.s32 $0x1  }
0x2: {  	[smem:$0x3F9C] =	sst lr;
	_ =	strace $0xD0000000  }
0x3: {  	_ = 	snop  }
0x4: {  	_ = 	snop  }
0x5: {  	_ = 	snop  }
0x6: {  	_ = 	snop  }
0x7: {  	_ = 	snop  }
__scs_overlays_trampoline_lowered:
0x8: {  	[smem:$0x3FAB] =	sst s0  }
0x9: {  	[smem:$0x3FAC] =	sst s1  }
0xa: {  	[smem:$0x3FAD] =	sst s2  }
0xb: {  	[smem:$0x3FAE] =	sst s3  }
0xc: {  	[smem:$0x3FAF] =	sst s4  }
0xd: {  	[smem:$0x3FB0] =	sst s5  }
0xe: {  	[smem:$0x3FB1] =	sst s6  }
0xf: {  	[smem:$0x3FB2] =	sst s7  }
0x10: {  	[smem:$0x3FB3] =	sst s8  }
0x11: {  	[smem:$0x3FB4] =	sst s9;
	s0 =	simm.s32 @!p0 $0x0  }
0x12: {  	s1 =	sld [smem:$0x3F9A];
	s0 =	simm.s32 @p0 $0x1  }
0x13: {  	[smem:$0x3FB5] =	sst s0;
	s0 =	simm.s32 @!p1 $0x0  }
0x14: {  	s2 =	sld [smem:$0x3F99];
	s0 =	simm.s32 @p1 $0x1  }
0x15: {  	[smem:$0x3FB6] =	sst s0;
	s0 =	simm.s32 @!p2 $0x0  }
0x16: {  	s3 =	sld [smem:$0x3FDB];
	s0 =	simm.s32 @p2 $0x1  }
0x17: {  	s4 =	simm.s32 $0x1BF5;
	[smem:$0x3FB8] =	sst s0  }
0x18: {  	s0 =	sld [smem:$0x3F9B];
	_ =	swait.ge [sflag:s4], $0x0  }
0x19: {  	s7 =	sld [smem:$0x3F9C]  }
0x1a: {  	s8 =	sadd.s32 $0xFFFFE003, lr  }
0x1b: {  	s9 =	sadd.s32 $0xFFFFFEF7, lr;
	s5 =	simm.s32 $0xFFFFFFFF;
	p2 =	slt.u32 s8, $0xFFFFF086  }
0x1c: {  	p1 =	slt.u32 s9, $0xF7A;
	s5 =	simm.s32 @!p2 $0x0  }
0x1d: {  	s5 =	simm.s32 @p1 $0x1;
	p0 =	seq.s32 s7, s2  }
0x1e: {  	s7 =	smul.u32 @!p0 $0xF7A, s2;
	p2 =	seq.s32 @!p0 s5, $0x0  }
0x1f: {  	s9 =	smul.u32 $0xF7A, s1;
	s8 =	simm.s32 @!p0 $0x1BF5;
	p2 =	por !p2, p0  }
0x20: {  	[sflag:s8] =	ssyncset.s32 @!p0 $0xFFFFF086;
	s6 =	sadd.s32 @!p0 s3, s7;
	s7 =	simm.s32 @!p0 $0x108  }
0x21: {  	s3 =	sadd.s32 s3, s9;
	s6 =	sadd.s32 @!p0 $0x88, s6;
	s7 =	simm.s32 @p2 $0x1082  }
0x22: {  	[simem:s7], [sflag:s8] =	dma.local @!p0 [hbm:s6], $0xF7A  }
0x23: {  	s9 =	sor.u32 $0xD0000000, s2;
	s6 =	simm.s32 $0x108;
	_ =	swait.ge @!p0 [sflag:s8], $0x0  }
0x24: {  	s3 =	sadd.s32 $0x88, s3;
	s6 =	simm.s32 @!p1 $0x1082;
	[sflag:s4] =	ssyncset.s32 $0xFFFFF086  }
0x25: {  	[simem:s6], [sflag:s4] =	dma.local [hbm:s3], $0xF7A  }
0x26: {  	[smem:$0x3F9C] =	sst s1;
	(tag) =	ssettag s2;
	_ =	strace s9  }
0x27: {  	s1 =	sld [smem:$0x3FAC]  }
0x28: {  	s2 =	sld [smem:$0x3FAD]  }
0x29: {  	s4 =	sld [smem:$0x3FAF]  }
0x2a: {  	p0 =	seq.s32 s5, $0x0;
	s5 =	sld [smem:$0x3FB0]  }
0x2b: {  	s6 =	sld [smem:$0x3FB1]  }
0x2c: {  	s7 =	sld [smem:$0x3FB2]  }
0x2d: {  	s3 =	simm.s32 $0x108;
	s8 =	sld [smem:$0x3FB3]  }
0x2e: {  	s3 =	simm.s32 @!p0 $0x1082;
	s9 =	sld [smem:$0x3FB4]  }
0x2f: {  	lr =	sadd.s32 s0, s3;
	s0 =	sld [smem:$0x3FAB]  }
0x30: {  	s3 =	sld [smem:$0x3FAE]  }
0x31: {  	[smem:$0x3FB7] =	sst s10  }
0x32: {  	s10 =	sld [smem:$0x3FB5];
	_ =	sdelay $0x3  }
0x33: {  	p0 =	seq.s32 s10, $0x1;
	s10 =	sld [smem:$0x3FB7];
	_ =	sdelay $0x3  }
0x34: {  	[smem:$0x3FB7] =	sst s10  }
0x35: {  	s10 =	sld [smem:$0x3FB6];
	_ =	sdelay $0x3  }
0x36: {  	p1 =	seq.s32 s10, $0x1;
	s10 =	sld [smem:$0x3FB7];
	_ =	sdelay $0x3  }
0x37: {  	[smem:$0x3FB7] =	sst s10  }
0x38: {  	s10 =	sld [smem:$0x3FB8]  }
0x39: {  	_ = 	snop;
	(pc) =	sbr.ind lr, $3  }
0x3a: {  	_ = 	snop  }
0x3b: {  	_ = 	snop  }
0x3c: {  	p2 =	seq.s32 s10, $0x1;
	s10 =	sld [smem:$0x3FB7]  }
0x3d: {  	_ =	shalt  }
0x3e: {  	_ =	shalt  }
0x3f: {  	_ =	shalt  }
0x40: {  	_ =	shalt  }
0x41: {  	_ =	shalt  }
0x42: {  	_ =	shalt  }
0x43: {  	_ =	shalt  }
0x44: {  	_ =	shalt  }
0x45: {  	_ =	shalt  }
0x46: {  	_ =	shalt  }
0x47: {  	_ =	shalt  }
0x48: {  	_ =	shalt  }
0x49: {  	_ =	shalt  }
0x4a: {  	_ =	shalt  }
0x4b: {  	_ =	shalt  }
0x4c: {  	_ =	shalt  }
0x4d: {  	_ =	shalt  }
0x4e: {  	_ =	shalt  }
0x4f: {  	_ =	shalt  }
0x50: {  	_ =	shalt  }
0x51: {  	_ =	shalt  }
0x52: {  	_ =	shalt  }
0x53: {  	_ =	shalt  }
0x54: {  	_ =	shalt  }
0x55: {  	_ =	shalt  }
0x56: {  	_ =	shalt  }
0x57: {  	_ =	shalt  }
0x58: {  	_ =	shalt  }
0x59: {  	_ =	shalt  }
0x5a: {  	_ =	shalt  }
0x5b: {  	_ =	shalt  }
0x5c: {  	_ =	shalt  }
0x5d: {  	_ =	shalt  }
0x5e: {  	_ =	shalt  }
0x5f: {  	_ =	shalt  }
0x60: {  	_ =	shalt  }
0x61: {  	_ =	shalt  }
0x62: {  	_ =	shalt  }
0x63: {  	_ =	shalt  }
0x64: {  	_ =	shalt  }
0x65: {  	_ =	shalt  }
0x66: {  	_ =	shalt  }
0x67: {  	_ =	shalt  }
0x68: {  	_ =	shalt  }
0x69: {  	_ =	shalt  }
0x6a: {  	_ =	shalt  }
0x6b: {  	_ =	shalt  }
0x6c: {  	_ =	shalt  }
0x6d: {  	_ =	shalt  }
0x6e: {  	_ =	shalt  }
0x6f: {  	_ =	shalt  }
0x70: {  	_ =	shalt  }
0x71: {  	_ =	shalt  }
0x72: {  	_ =	shalt  }
0x73: {  	_ =	shalt  }
0x74: {  	_ =	shalt  }
0x75: {  	_ =	shalt  }
0x76: {  	_ =	shalt  }
0x77: {  	_ =	shalt  }
0x78: {  	_ =	shalt  }
0x79: {  	_ =	shalt  }
0x7a: {  	_ =	shalt  }
0x7b: {  	_ =	shalt  }
0x7c: {  	_ =	shalt  }
0x7d: {  	_ =	shalt  }
0x7e: {  	_ =	shalt  }
0x7f: {  	_ =	shalt  }
0x80: {  	_ =	shalt  }
0x81: {  	_ =	shalt  }
0x82: {  	_ =	shalt  }
0x83: {  	_ =	shalt  }
0x84: {  	_ =	shalt  }
0x85: {  	_ =	shalt  }
0x86: {  	_ =	shalt  }
0x87: {  	_ =	shalt  }
.Lfunc_end0:
.L_simem_size_0:
called_computation_lowered:
.L_overlay_start_0:
0x88: {  	s2 =	sld [smem:$0x3FD9]  }
0x89: {  	s3 =	sld [smem:$0x3FFE];
	_ =	sdelay $0x1  }
0x8a: {  	s1 =	srdreg.scid  }
0x8b: {  	s0 =	sand.u32 $0x1, s1  }
0x8c: {  	s17 =	sshll.u32 s0, $0xA;
	s2 =	sadd.s32 s3, s2  }
0x8d: {  	s2 =	sadd.s32 s2, s17  }
0x8e: {  	[smem:$0x3FC3] =	sst s2  }
0x8f: {  	_ = 	snop  }
0x90: {  	s2 =	sld [smem:$0x3FC8]  }
0x91: {  	s18 =	sld [smem:$0x3FD0];
	(tm) =	ssettm $0x1  }
0x92: {  	s4 =	sld [smem:$0x3FFB];
	_ =	sdelay $0x3  }
0x93: {  	_ =	strace s4  }
0x94: {  	s4 =	sld [smem:$0x3FFC];
	_ =	sdelay $0x3  }
0x95: {  	_ =	strace s4  }
0x96: {  	s4 =	sld [smem:$0x3FFD];
	_ =	sdelay $0x3  }
0x97: {  	_ =	strace s4  }
0x98: {  	_ =	strace $0x8FFFFFFF  }
0x99: {  	s19 =	sld [smem:$0x3FDB];
	_ =	sdelay $0x1  }
0x9a: {  	s5 =	simm.s32 $_scs_section_size  }
0x9b: {  	s6 =	simm.s32 $_size__tile_overlayer_lowered;
	s7 =	simm.s32 $_tile_overlayer_lowered  }
0x9c: {  	s22 =	simm.s32 $0x1BFF;
	s21 =	sshll.u32 s7, $0x1;
	s4 =	sadd.s32 s5, s19  }
0x9d: {  	s8 =	simm.s32 $0x0;
	s20 =	sshll.u32 s6, $0x1;
	s6 =	sadd.s32 s21, s4  }
0x9e: {  	[timem:s8], [sflag:s22] =	dma.local [hbm:s6], s20  }
0x9f: {  	_ =	swait.ge [sflag:s22], s20  }
0xa0: {  	s5 =	ssub.s32 $0x0, s20;
	[sflag:s22] =	ssyncset.done $0x0  }
0xa1: {  	[sflag:s22] =	ssyncadd.s32 s5;
	_ =	sdelay $0x1  }
0xa2: {  	s23 =	simm.s32 $0x1B8B  }
0xa3: {  	_ =	swait.ge [sflag:s23], $0x1  }
0xa4: {  	[sflag:s23] =	ssyncset.done $0x0  }
0xa5: {  	s25 =	simm.s32 $0x1B8E;
	s24 =	sld [smem:$0x3FFE];
	[sflag:s23] =	ssyncadd.s32 $0xFFFFFFFF  }
0xa6: {  	s26 =	simm.s32 $execute0_lowered;
	[smem:$0x3FD2] =	sst s25  }
0xa7: {  	s6 =	sshll.u32 s26, $0x1;
	_ =	strace $0x80000046;
	[dreg:$0x1] =	wrdreg $0xFFFFFFFF  }
0xa8: {  	s28 =	simm.s32 $_size_execute0_lowered;
	s4 =	sadd.s32 s4, s6;
	[dreg:$0x0] =	wrdreg $0x0  }
0xa9: {  	s6 =	sshll.u32 s28, $0x1;
	[dreg:$0x2] =	wrdreg s4  }
0xaa: {  	[dreg:$0x3] =	wrdreg s6  }
0xab: {  	[dreg:$0x4] =	wrdreg $0xC0  }
0xac: {  	_ =	task [dreg:s8], $0x5FFFF  }
0xad: {  	[dreg:$0x1] =	wrdreg $0xFFFFFFFF  }
0xae: {  	[dreg:$0x0] =	wrdreg $0x60  }
0xaf: {  	[dreg:$0x2] =	wrdreg s24  }
0xb0: {  	[dreg:$0x3] =	wrdreg s2  }
0xb1: {  	[dreg:$0x4] =	wrdreg s18  }
0xb2: {  	[dreg:$0x5] =	wrdreg $0x9  }
0xb3: {  	_ =	task.clear_ibuf [dreg:s8], $0x6FFFF;
	_ =	strace $0x90000046  }
0xb4: {  	s29 =	simm.s32 $0x9;
	_ =	strace $0x80000048  }
0xb5: {  	_ =	swait.ge [sflag:s29], $0x1  }
0xb6: {  	[sflag:s29] =	ssyncadd.s32 $0xFFFFFFFF  }
0xb7: {  	_ =	strace $0x90000048  }
0xb8: {  	_ =	sfence  }
0xb9: {  	s30 =	sld [smem:$0x0];
	_ =	sdelay $0x2  }
0xba: {  	s31 =	sshll.u32 s1, $0xD;
	s1 =	sshrl.u32 s1, $0x2  }
0xbb: {  	s3 =	sand.u32 $0x4000, s31;
	s1 =	sadd.s32 s1, s30  }
0xbc: {  	s0 =	sor.u32 s3, s0;
	s1 =	sshll.u32 s1, $0x11  }
0xbd: {  	s0 =	sor.u32 s1, s0  }
0xbe: {  	s0 =	sadd.s32 $0x8F2B, s0  }
0xbf: {  	[sflag:s0] =	ssyncadd.remote.s32 $0x1  }
0xc0: {  	_ =	sfence.sel $0xFFFF  }
0xc1: {  	[dreg:$0x0] =	wrdreg $0xFFFFFFFF;
	(pc) =	sbr.abs _section_cstart, $3  }
0xc2: {  	[dreg:$0x1] =	wrdreg $0xFFFFFFFF  }
0xc3: {  	_ =	task.clear_ibuf [dreg:s8], $0x2FFFF;
	_ =	strace $0x9FFFFFFF  }
0xc4: {  	(tm) =	ssettm $0x7FFFFFFF  }
0xc5: {  	_ =	shalt  }
tec
execute0_lowered:
.L_overlay_start_1:
0x0: {  	(tag) =	ssettag $0x1  }
0x1: {  	s1 =	rddreg [dreg:$0x0]  }
0x2: {  	s11 =	rddreg [dreg:$0x1]  }
0x3: {  	s12 =	rddreg [dreg:$0x2]  }
0x4: {  	s0 =	rddreg [dreg:$0x3];
	s4 =	srdreg.scid  }
0x5: {  	s3 =	simm.s32 $0x0;
	s2 =	stileid.u32;
	s15 =	simm.s32 $0x400  }
0x6: {  	s16 =	simm.s32 $0x600;
	s17 =	simm.s32 $0x800;
	s18 =	simm.s32 $0xA00  }
0x7: {  	s19 =	simm.s32 $0xC00;
	s20 =	simm.s32 $0x1;
	s21 =	simm.s32 $0xE00  }
0x8: {  	s22 =	simm.s32 $0x1000;
	s23 =	simm.s32 $0x1200;
	s24 =	simm.s32 $0x1400  }
0x9: {  	s28 =	simm.s32 $0x1A00;
	s29 =	simm.s32 $0x2;
	s30 =	simm.s32 $0x1C00  }
0xa: {  	s31 =	simm.s32 $0x3;
	s4 =	sand.u32 $0x1, s4;
	[smem:$0x7FF] =	sst s3  }
0xb: {  	s5 =	sshll.u32 s2, $0x7;
	s6 =	sshll.u32 s4, $0x6;
	s25 =	ssub.s32 $0x2, s4  }
0xc: {  	_ =	strace $0x80000047;
	s13 =	sor.u32 s6, s5;
	s26 =	sshrl.u32 s25, $0x1  }
0xd: {  	s4 =	sadd.s32 $0x6200, s1;
	s10 =	sadd.s32 s13, s1;
	s14 =	ssub.s32 s25, s26  }
0xe: {  	s11 =	sadd.s32 s11, s13;
	s12 =	sadd.s32 s12, s13;
	s25 =	simm.s32 $0x1600  }
0xf: {  	s26 =	simm.s32 $0x1800;
	s5 =	sadd.s32 $0x3200, s10;
	s6 =	sadd.s32 $0x3A00, s10  }
0x10: {  	s7 =	sadd.s32 $0x4200, s10;
	s8 =	sadd.s32 $0x4A00, s10;
	s9 =	sadd.s32 $0x5200, s10  }
0x11: {  	s10 =	sadd.s32 $0x5A00, s10;
	s13 =	smax.u32 s14, $0x1;
	s14 =	simm.s32 $0x200  }
.LBB2_1:
0x12: {  	[tilespmem:s3], [sflag:$0x1] =	stream.linear.gather [hbm4b:s5+s3], $0x200, $0x38;
	[tilespmem:$0x1E00] =	vst v63  }
0x13: {  	_ = 	snop  }
0x14: {  	[tilespmem:s14], [sflag:$0x1] =	stream.linear.gather [hbm4b:s6+s3], $0x200, $0x38;
	[tilespmem:$0x1E00] =	vst v63  }
0x15: {  	_ = 	snop  }
0x16: {  	[tilespmem:s15], [sflag:$0x1] =	stream.linear.gather [hbm4b:s7+s3], $0x200, $0x38;
	[tilespmem:$0x1E00] =	vst v63  }
0x17: {  	_ = 	snop  }
0x18: {  	[tilespmem:s16], [sflag:$0x1] =	stream.linear.gather [hbm4b:s8+s3], $0x200, $0x38;
	[tilespmem:$0x1E00] =	vst v63  }
0x19: {  	_ = 	snop  }
0x1a: {  	[tilespmem:s17], [sflag:$0x1] =	stream.linear.gather [hbm4b:s9+s3], $0x200, $0x38;
	[tilespmem:$0x1E00] =	vst v63  }
0x1b: {  	_ = 	snop  }
0x1c: {  	[tilespmem:s18], [sflag:$0x1] =	stream.linear.gather [hbm4b:s10+s3], $0x200, $0x38;
	[tilespmem:$0x1E00] =	vst v63  }
0x1d: {  	_ = 	snop  }
0x1e: {  	[tilespmem:s19], [sflag:$0x1] =	stream.linear.gather [hbm4b:s11+s3], $0x200, $0x38;
	[tilespmem:$0x1E00] =	vst v63  }
0x1f: {  	_ =	swait.ge [sflag:s20], $0x200  }
0x20: {  	[sflag:s20] =	ssyncset.done $0x0  }
0x21: {  	[sflag:s20] =	ssyncadd.s32 $0xFFFFFE00  }
0x22: {  	_ =	swait.ge [sflag:s20], $0x200  }
0x23: {  	[sflag:s20] =	ssyncset.done $0x0  }
0x24: {  	[sflag:s20] =	ssyncadd.s32 $0xFFFFFE00  }
0x25: {  	_ =	swait.ge [sflag:s20], $0x200  }
0x26: {  	[sflag:s20] =	ssyncset.done $0x0  }
0x27: {  	[sflag:s20] =	ssyncadd.s32 $0xFFFFFE00  }
0x28: {  	_ =	swait.ge [sflag:s20], $0x200  }
0x29: {  	[sflag:s20] =	ssyncset.done $0x0  }
0x2a: {  	[sflag:s20] =	ssyncadd.s32 $0xFFFFFE00  }
0x2b: {  	_ =	swait.ge [sflag:s20], $0x200  }
0x2c: {  	[sflag:s20] =	ssyncset.done $0x0  }
0x2d: {  	[sflag:s20] =	ssyncadd.s32 $0xFFFFFE00  }
0x2e: {  	_ =	swait.ge [sflag:s20], $0x200  }
0x2f: {  	[sflag:s20] =	ssyncset.done $0x0  }
0x30: {  	[sflag:s20] =	ssyncadd.s32 $0xFFFFFE00  }
0x31: {  	_ =	swait.ge [sflag:s20], $0x200  }
0x32: {  	[sflag:s20] =	ssyncset.done $0x0  }
0x33: {  	[sflag:s20] =	ssyncadd.s32 $0xFFFFFE00  }
0x34: {  	[tilespmem:s21], [sflag:$0x2] =	stream.indirect.gather [hbm4b:s4+s14], $0x1, s3, s14, $0xb8;
	[tilespmem:$0x1E00] =	vst v63  }
0x35: {  	_ = 	snop  }
0x36: {  	[tilespmem:s22], [sflag:$0x2] =	stream.indirect.gather [hbm4b:s4+s14], $0x1, s14, s14, $0xb8;
	[tilespmem:$0x1E00] =	vst v63  }
0x37: {  	_ = 	snop  }
0x38: {  	[tilespmem:s23], [sflag:$0x2] =	stream.indirect.gather [hbm4b:s4+s14], $0x1, s15, s14, $0xb8;
	[tilespmem:$0x1E00] =	vst v63  }
0x39: {  	_ = 	snop  }
0x3a: {  	[tilespmem:s24], [sflag:$0x2] =	stream.indirect.gather [hbm4b:s4+s14], $0x1, s16, s14, $0xb8;
	[tilespmem:$0x1E00] =	vst v63  }
0x3b: {  	_ = 	snop  }
0x3c: {  	[tilespmem:s25], [sflag:$0x2] =	stream.indirect.gather [hbm4b:s4+s14], $0x1, s17, s14, $0xb8;
	[tilespmem:$0x1E00] =	vst v63  }
0x3d: {  	_ = 	snop  }
0x3e: {  	[tilespmem:s26], [sflag:$0x2] =	stream.indirect.gather [hbm4b:s4+s14], $0x1, s18, s14, $0xb8;
	[tilespmem:$0x1E00] =	vst v63  }
0x3f: {  	_ = 	snop  }
0x40: {  	[tilespmem:s28], [sflag:$0x2] =	stream.indirect.gather [hbm4b:s1+s14], $0x1, s19, s14, $0xb8;
	[tilespmem:$0x1E00] =	vst v63  }
0x41: {  	_ =	swait.ge [sflag:s29], $0x200  }
0x42: {  	[sflag:s29] =	ssyncset.done $0x0  }
0x43: {  	[sflag:s29] =	ssyncadd.s32 $0xFFFFFE00  }
0x44: {  	_ =	swait.ge [sflag:s29], $0x200  }
0x45: {  	[sflag:s29] =	ssyncset.done $0x0  }
0x46: {  	[sflag:s29] =	ssyncadd.s32 $0xFFFFFE00  }
0x47: {  	_ =	swait.ge [sflag:s29], $0x200  }
0x48: {  	[sflag:s29] =	ssyncset.done $0x0  }
0x49: {  	[sflag:s29] =	ssyncadd.s32 $0xFFFFFE00  }
0x4a: {  	_ =	swait.ge [sflag:s29], $0x200  }
0x4b: {  	[sflag:s29] =	ssyncset.done $0x0  }
0x4c: {  	[sflag:s29] =	ssyncadd.s32 $0xFFFFFE00  }
0x4d: {  	_ =	swait.ge [sflag:s29], $0x200  }
0x4e: {  	[sflag:s29] =	ssyncset.done $0x0  }
0x4f: {  	[sflag:s29] =	ssyncadd.s32 $0xFFFFFE00  }
0x50: {  	_ =	swait.ge [sflag:s29], $0x200  }
0x51: {  	[sflag:s29] =	ssyncset.done $0x0  }
0x52: {  	[sflag:s29] =	ssyncadd.s32 $0xFFFFFE00  }
0x53: {  	_ =	swait.ge [sflag:s29], $0x200  }
0x54: {  	[sflag:s29] =	ssyncset.done $0x0  }
0x55: {  	[sflag:s29] =	ssyncadd.s32 $0xFFFFFE00  }
0x56: {  	v41 =	vld [tilespmem:$0x1A00]  }
0x57: {  	v15 =	vld [tilespmem:$0xE00]  }
0x58: {  	v24 =	vld [tilespmem:$0x1000]  }
0x59: {  	v30 =	vld [tilespmem:$0x1200]  }
0x5a: {  	v47 =	vld [tilespmem:$0x1400]  }
0x5b: {  	v0 =	vld [tilespmem:$0x1600]  }
0x5c: {  	v43 =	vld [tilespmem:$0x1800]  }
0x5d: {  	v7 =	vld [tilespmem:$0x1A10]  }
0x5e: {  	v5 =	vld [tilespmem:$0xE10]  }
0x5f: {  	v12 =	vld [tilespmem:$0x1010]  }
0x60: {  	v40 =	vld [tilespmem:$0x1210]  }
0x61: {  	v55 =	vld [tilespmem:$0x1410]  }
0x62: {  	v50 =	vld [tilespmem:$0x1610]  }
0x63: {  	v44 =	vld [tilespmem:$0x1810]  }
0x64: {  	v3 =	vld [tilespmem:$0x1A20]  }
0x65: {  	v2 =	vld [tilespmem:$0xE20]  }
0x66: {  	v9 =	vld [tilespmem:$0x1020]  }
0x67: {  	v16 =	vld [tilespmem:$0x1220]  }
0x68: {  	v25 =	vld [tilespmem:$0x1420]  }
0x69: {  	v38 =	vld [tilespmem:$0x1620]  }
0x6a: {  	v54 =	vld [tilespmem:$0x1820]  }
0x6b: {  	v1 =	vld [tilespmem:$0x1A30]  }
0x6c: {  	v4 =	vld [tilespmem:$0x1030]  }
0x6d: {  	v10 =	vld [tilespmem:$0x1230]  }
0x6e: {  	v17 =	vld [tilespmem:$0x1430]  }
0x6f: {  	v29 =	vld [tilespmem:$0x1630]  }
0x70: {  	v34 =	vld [tilespmem:$0x1830]  }
0x71: {  	v31 =	vld [tilespmem:$0x1A40]  }
0x72: {  	v26 =	vld [tilespmem:$0xE40]  }
0x73: {  	v42 =	vld [tilespmem:$0x1040]  }
0x74: {  	v58 =	vld [tilespmem:$0x1240]  }
0x75: {  	v6 =	vld [tilespmem:$0x1440]  }
0x76: {  	v45 =	vld [tilespmem:$0x1640]  }
0x77: {  	v46 =	vld [tilespmem:$0x1840]  }
0x78: {  	v21 =	vld [tilespmem:$0x1A50]  }
0x79: {  	v18 =	vld [tilespmem:$0xE50]  }
0x7a: {  	v27 =	vld [tilespmem:$0x1050]  }
0x7b: {  	v61 =	vld [tilespmem:$0x1450]  }
0x7c: {  	v48 =	vld [tilespmem:$0x1650]  }
0x7d: {  	v49 =	vld [tilespmem:$0x1850]  }
0x7e: {  	v13 =	vld [tilespmem:$0x1A60]  }
0x7f: {  	v11 =	vld [tilespmem:$0xE60]  }
0x80: {  	v22 =	vld [tilespmem:$0x1060]  }
0x81: {  	v35 =	vld [tilespmem:$0x1260]  }
0x82: {  	v51 =	vld [tilespmem:$0x1660]  }
0x83: {  	v52 =	vld [tilespmem:$0x1860]  }
0x84: {  	v8 =	vld [tilespmem:$0x1A70]  }
0x85: {  	v14 =	vld [tilespmem:$0x1070]  }
0x86: {  	v23 =	vld [tilespmem:$0x1270]  }
0x87: {  	v36 =	vld [tilespmem:$0x1470]  }
0x88: {  	v19 =	vld [tilespmem:$0x1870]  }
0x89: {  	v59 =	vld [tilespmem:$0x1A80]  }
0x8a: {  	v53 =	vld [tilespmem:$0x1080]  }
0x8b: {  	v56 =	vld [tilespmem:$0x1280]  }
0x8c: {  	v57 =	vld [tilespmem:$0x1480]  }
0x8d: {  	v60 =	vld [tilespmem:$0x1680]  }
0x8e: {  	v62 =	vld [tilespmem:$0x1880]  }
0x8f: {  	v39 =	vld [tilespmem:$0xE90]  }
0x90: {  	v63 =	vld [tilespmem:$0x1290]  }
0x91: {  	v28 =	vld [tilespmem:$0x1490]  }
0x92: {  	v32 =	vld [tilespmem:$0x1690]  }
0x93: {  	v33 =	vld [tilespmem:$0x1890]  }
0x94: {  	v37 =	vld [tilespmem:$0x14A0]  }
0x95: {  	v20 =	vld [tilespmem:$0x1AB0]  }
0x96: {  	[tilespmem:$0x1FB20] =	vst v0;
	v0 =	vld [tilespmem:$0xE30]  }
0x97: {  	[tilespmem:$0x1FB30] =	vst v43;
	v43 =	vld [tilespmem:$0x1250]  }
0x98: {  	[tilespmem:$0x1FBA0] =	vst v49;
	v49 =	vld [tilespmem:$0x1460]  }
0x99: {  	[tilespmem:$0x1FB50] =	vst v6;
	v6 =	vld [tilespmem:$0xE70]  }
0x9a: {  	[tilespmem:$0x1FB90] =	vst v51;
	v51 =	vld [tilespmem:$0x1670]  }
0x9b: {  	[tilespmem:$0x1FBB0] =	vst v52;
	v52 =	vld [tilespmem:$0xE80]  }
0x9c: {  	[tilespmem:$0x1FB40] =	vst v44;
	v44 =	vld [tilespmem:$0x1A90]  }
0x9d: {  	[tilespmem:$0x1FBD0] =	vst v53;
	v53 =	vld [tilespmem:$0x1090]  }
0x9e: {  	[tilespmem:$0x1FC40] =	vst v32;
	v32 =	vld [tilespmem:$0x1AA0]  }
0x9f: {  	[tilespmem:$0x1FC10] =	vst v28;
	v28 =	vld [tilespmem:$0xEA0]  }
0xa0: {  	[tilespmem:$0x1FB60] =	vst v45;
	v45 =	vld [tilespmem:$0x10A0]  }
0xa1: {  	[tilespmem:$0x1FC60] =	vst v62;
	v62 =	vld [tilespmem:$0x12A0]  }
0xa2: {  	[tilespmem:$0x1FB80] =	vst v46;
	v46 =	vld [tilespmem:$0x16A0]  }
0xa3: {  	[tilespmem:$0x1FB70] =	vst v48;
	v48 =	vld [tilespmem:$0x18A0]  }
0xa4: {  	[tilespmem:$0x1FBC0] =	vst v19;
	v19 =	vld [tilespmem:$0xEB0]  }
0xa5: {  	[tilespmem:$0x1FC80] =	vst v33;
	v33 =	vld [tilespmem:$0x10B0]  }
0xa6: {  	[tilespmem:$0x1FC30] =	vst v37;
	v37 =	vld [tilespmem:$0x14B0]  }
0xa7: {  	[tilespmem:$0x1FBE0] =	vst v56;
	v56 =	vld [tilespmem:$0x16B0]  }
0xa8: {  	[tilespmem:$0x1FC00] =	vst v57;
	v57 =	vld [tilespmem:$0x18B0]  }
0xa9: {  	[tilespmem:$0x1FC20] =	vst v60;
	v60 =	vld [tilespmem:$0x1AC0]  }
0xaa: {  	[tilespmem:$0x1FBF0] =	vst v63;
	v63 =	vld [tilespmem:$0xEC0];
	v15 =	vadd.f32 v15, v41;
	v5 =	vadd.f32 v5, v7  }
0xab: {  	v41 =	vld [tilespmem:$0x1720];
	v2 =	vadd.f32 v2, v3  }
0xac: {  	v15 =	vadd.f32 v24, v15;
	v12 =	vadd.f32 v12, v5;
	v24 =	vld [tilespmem:$0xF30]  }
0xad: {  	v2 =	vadd.f32 v9, v2;
	v9 =	vld [tilespmem:$0x1FB20]  }
0xae: {  	v3 =	vadd.f32 v40, v12;
	v40 =	vld [tilespmem:$0x1330]  }
0xaf: {  	v12 =	vld [tilespmem:$0x1FB30]  }
0xb0: {  	[tilespmem:$0x1FCA0] =	vst v48;
	v48 =	vld [tilespmem:$0x12B0]  }
0xb1: {  	[tilespmem:$0x1FC70] =	vst v46;
	v46 =	vld [tilespmem:$0x10C0]  }
0xb2: {  	[tilespmem:$0x1FC90] =	vst v56;
	v56 =	vld [tilespmem:$0x12C0]  }
0xb3: {  	[tilespmem:$0x1FCD0] =	vst v57;
	v57 =	vld [tilespmem:$0x14C0]  }
0xb4: {  	[tilespmem:$0x1FCB0] =	vst v60;
	v60 =	vld [tilespmem:$0x16C0]  }
0xb5: {  	[tilespmem:$0x1FCC0] =	vst v63;
	v63 =	vld [tilespmem:$0x18C0]  }
0xb6: {  	[tilespmem:$0x1FC50] =	vst v37;
	v37 =	vld [tilespmem:$0xEF0]  }
0xb7: {  	v26 =	vadd.f32 v26, v31;
	[tilespmem:$0x1FF40] =	vst v41;
	v41 =	vld [tilespmem:$0x1920]  }
0xb8: {  	v15 =	vadd.f32 v30, v15;
	v1 =	vadd.f32 v0, v1;
	v0 =	vld [tilespmem:$0x1130]  }
0xb9: {  	v31 =	vadd.f32 v39, v44;
	v39 =	vadd.f32 v19, v20;
	v19 =	vld [tilespmem:$0x1560]  }
0xba: {  	v20 =	vld [tilespmem:$0x1760]  }
0xbb: {  	v30 =	vadd.f32 v47, v15;
	v47 =	vadd.f32 v16, v2;
	v2 =	vld [tilespmem:$0x1530]  }
0xbc: {  	v3 =	vadd.f32 v55, v3;
	v55 =	vld [tilespmem:$0x1730]  }
0xbd: {  	v16 =	vld [tilespmem:$0x1FB40]  }
0xbe: {  	v7 =	vadd.f32 v33, v39;
	v33 =	vld [tilespmem:$0x1570]  }
0xbf: {  	v39 =	vld [tilespmem:$0x1B80]  }
0xc0: {  	v3 =	vadd.f32 v50, v3;
	v50 =	vld [tilespmem:$0x1B40]  }
0xc1: {  	v5 =	vadd.f32 v25, v47;
	v25 =	vld [tilespmem:$0x1140]  }
0xc2: {  	v1 =	vadd.f32 v4, v1;
	v4 =	vadd.f32 v9, v30;
	v30 =	vld [tilespmem:$0x1340]  }
0xc3: {  	v9 =	vadd.f32 v11, v13;
	v13 =	vld [tilespmem:$0x1FB50]  }
0xc4: {  	v47 =	vadd.f32 v18, v21;
	v18 =	vld [tilespmem:$0x1550]  }
0xc5: {  	v21 =	vld [tilespmem:$0x1FBA0]  }
0xc6: {  	v1 =	vadd.f32 v10, v1;
	v10 =	vld [tilespmem:$0x1930]  }
0xc7: {  	[tilespmem:$0x1FD00] =	vst v46;
	v46 =	vld [tilespmem:$0x1AD0]  }
0xc8: {  	[tilespmem:$0x1FD20] =	vst v56;
	v56 =	vld [tilespmem:$0xED0]  }
0xc9: {  	[tilespmem:$0x1FD50] =	vst v57;
	v57 =	vld [tilespmem:$0x10D0]  }
0xca: {  	[tilespmem:$0x1FD90] =	vst v60;
	v60 =	vld [tilespmem:$0x12D0]  }
0xcb: {  	[tilespmem:$0x1FDD0] =	vst v63;
	v63 =	vld [tilespmem:$0x14D0]  }
0xcc: {  	[tilespmem:$0x1FF60] =	vst v41;
	v41 =	vld [tilespmem:$0x1B30]  }
0xcd: {  	v11 =	vadd.f32 v6, v8;
	v15 =	vadd.f32 v38, v5;
	v38 =	vld [tilespmem:$0xF40]  }
0xce: {  	v4 =	vadd.f32 v12, v4;
	v12 =	vld [tilespmem:$0x1940]  }
0xcf: {  	v5 =	vadd.f32 v14, v11;
	v14 =	vld [tilespmem:$0x1FB60]  }
0xd0: {  	v11 =	vld [tilespmem:$0x1750]  }
0xd1: {  	v3 =	vadd.f32 v16, v3;
	v16 =	vld [tilespmem:$0x1FB80]  }
0xd2: {  	v1 =	vadd.f32 v17, v1;
	v17 =	vadd.f32 v54, v15;
	v54 =	vld [tilespmem:$0x1540]  }
0xd3: {  	[tilespmem:$0x1FF90] =	vst v4;
	v4 =	vadd.f32 v22, v9;
	v22 =	vld [tilespmem:$0xF50]  }
0xd4: {  	v15 =	vld [tilespmem:$0x1FB70]  }
0xd5: {  	[tilespmem:$0x1FFB0] =	vst v3;
	v3 =	vadd.f32 v42, v26;
	v26 =	vld [tilespmem:$0x1FBB0]  }
0xd6: {  	v1 =	vadd.f32 v29, v1;
	v29 =	vld [tilespmem:$0x1FBC0]  }
0xd7: {  	v42 =	vld [tilespmem:$0x1FBE0]  }
0xd8: {  	[tilespmem:$0x1FF70] =	vst v10;
	v10 =	vld [tilespmem:$0x1740]  }
0xd9: {  	v5 =	vadd.f32 v23, v5;
	[tilespmem:$0x1FFC0] =	vst v17;
	v17 =	vld [tilespmem:$0x1FB90]  }
0xda: {  	v4 =	vadd.f32 v35, v4;
	v35 =	vld [tilespmem:$0x1FBD0]  }
0xdb: {  	v5 =	vadd.f32 v36, v5;
	v36 =	vadd.f32 v28, v32;
	v28 =	vld [tilespmem:$0xF70]  }
0xdc: {  	v32 =	vld [tilespmem:$0x1370]  }
0xdd: {  	[tilespmem:$0x1FCE0] =	vst v46;
	v46 =	vld [tilespmem:$0x16D0]  }
0xde: {  	[tilespmem:$0x1FCF0] =	vst v56;
	v56 =	vld [tilespmem:$0x18D0]  }
0xdf: {  	[tilespmem:$0x1FD40] =	vst v60;
	v60 =	vld [tilespmem:$0x1AE0]  }
0xe0: {  	[tilespmem:$0x1FD10] =	vst v57;
	v57 =	vld [tilespmem:$0x10E0]  }
0xe1: {  	[tilespmem:$0x1FD70] =	vst v63;
	v63 =	vld [tilespmem:$0x12E0]  }
0xe2: {  	v1 =	vadd.f32 v34, v1;
	v34 =	vld [tilespmem:$0x1B50]  }
0xe3: {  	[tilespmem:$0x1FFD0] =	vst v12;
	v12 =	vld [tilespmem:$0x1350]  }
0xe4: {  	v24 =	vadd.f32 v24, v41;
	v41 =	vld [tilespmem:$0x1BA0]  }
0xe5: {  	v38 =	vadd.f32 v38, v50;
	v50 =	vld [tilespmem:$0x11B0]  }
0xe6: {  	v23 =	vadd.f32 v51, v5;
	v5 =	vadd.f32 v45, v36;
	v45 =	vld [tilespmem:$0x1FC00]  }
0xe7: {  	v4 =	vadd.f32 v49, v4;
	v49 =	vld [tilespmem:$0x1FC20]  }
0xe8: {  	v51 =	vld [tilespmem:$0x1FC30]  }
0xe9: {  	v3 =	vadd.f32 v58, v3;
	v36 =	vld [tilespmem:$0x1970]  }
0xea: {  	v7 =	vadd.f32 v48, v7;
	v48 =	vld [tilespmem:$0x1FCE0]  }
0xeb: {  	v3 =	vadd.f32 v13, v3;
	v13 =	vld [tilespmem:$0x1B60]  }
0xec: {  	[tilespmem:$0x1FD60] =	vst v63;
	v63 =	vld [tilespmem:$0x18E0]  }
0xed: {  	[tilespmem:$0x1FFE0] =	vst v1;
	v1 =	vadd.f32 v27, v47;
	v47 =	vld [tilespmem:$0x1FC10]  }
0xee: {  	v27 =	vadd.f32 v52, v59;
	v52 =	vld [tilespmem:$0x1FC40]  }
0xef: {  	[tilespmem:$0x1FF80] =	vst v54;
	v54 =	vld [tilespmem:$0x1FC50]  }
0xf0: {  	v59 =	vld [tilespmem:$0x1FC60]  }
0xf1: {  	[tilespmem:$0x1FE10] =	vst v63;
	v63 =	vld [tilespmem:$0x12F0]  }
0xf2: {  	v0 =	vadd.f32 v0, v24;
	v24 =	vld [tilespmem:$0x11A0]  }
0xf3: {  	[tilespmem:$0x1FFA0] =	vst v10;
	v10 =	vld [tilespmem:$0x1150]  }
0xf4: {  	v3 =	vadd.f32 v14, v3;
	v14 =	vld [tilespmem:$0x1950]  }
0xf5: {  	v1 =	vadd.f32 v43, v1;
	v43 =	vld [tilespmem:$0x1FBF0]  }
0xf6: {  	v25 =	vadd.f32 v25, v38;
	[tilespmem:$0x1FD80] =	vst v63;
	v63 =	vld [tilespmem:$0x14F0]  }
0xf7: {  	v0 =	vadd.f32 v40, v0;
	v40 =	vld [tilespmem:$0x15A0]  }
0xf8: {  	v25 =	vadd.f32 v30, v25;
	v30 =	vld [tilespmem:$0x1FF80]  }
0xf9: {  	[tilespmem:$0x1FDF0] =	vst v56;
	v56 =	vld [tilespmem:$0xEE0]  }
0xfa: {  	[tilespmem:$0x1FDB0] =	vst v46;
	v46 =	vld [tilespmem:$0x14E0]  }
0xfb: {  	[tilespmem:$0x1FDC0] =	vst v63;
	v63 =	vld [tilespmem:$0x16F0]  }
0xfc: {  	[tilespmem:$0x1FD30] =	vst v57;
	v57 =	vld [tilespmem:$0x16E0]  }
0xfd: {  	v22 =	vadd.f32 v22, v34;
	v34 =	vld [tilespmem:$0x13B0]  }
0xfe: {  	v9 =	vadd.f32 v16, v3;
	v3 =	vadd.f32 v17, v4;
	v17 =	vld [tilespmem:$0xF60]  }
0xff: {  	v4 =	vld [tilespmem:$0x1960]  }
0x100: {  	v5 =	vadd.f32 v62, v5;
	[tilespmem:$0x1FE00] =	vst v63;
	v63 =	vld [tilespmem:$0x18F0]  }
0x101: {  	v1 =	vadd.f32 v61, v1;
	v61 =	vld [tilespmem:$0x1FC70]  }
0x102: {  	v5 =	vadd.f32 v51, v5;
	v51 =	vld [tilespmem:$0x1FD00]  }
0x103: {  	v0 =	vadd.f32 v2, v0;
	v2 =	vld [tilespmem:$0x19A0]  }
0x104: {  	v58 =	vadd.f32 v54, v7;
	v7 =	vld [tilespmem:$0x1FC80]  }
0x105: {  	[tilespmem:$0x1FE40] =	vst v63;
	v63 =	vld [tilespmem:$0x1B00]  }
0x106: {  	v54 =	vld [tilespmem:$0x1FD20]  }
0x107: {  	v16 =	vadd.f32 v26, v3;
	v3 =	vadd.f32 v35, v27;
	v27 =	vld [tilespmem:$0x1B70]  }
0x108: {  	v1 =	vadd.f32 v15, v1;
	v15 =	vld [tilespmem:$0x1FC90]  }
0x109: {  	v0 =	vadd.f32 v55, v0;
	v55 =	vld [tilespmem:$0xFB0]  }
0x10a: {  	[tilespmem:$0x1FE20] =	vst v63;
	v63 =	vld [tilespmem:$0xF00]  }
0x10b: {  	v10 =	vadd.f32 v10, v22;
	v22 =	vld [tilespmem:$0x1BC0]  }
0x10c: {  	[tilespmem:$0x1FDA0] =	vst v46;
	v46 =	vld [tilespmem:$0x1AF0]  }
0x10d: {  	[tilespmem:$0x1FDE0] =	vst v57;
	v57 =	vld [tilespmem:$0x10F0]  }
0x10e: {  	v6 =	vadd.f32 v21, v1;
	v21 =	vld [tilespmem:$0x1160]  }
0x10f: {  	[tilespmem:$0x1FE30] =	vst v63;
	v63 =	vld [tilespmem:$0x1100]  }
0x110: {  	v1 =	vadd.f32 v29, v23;
	v23 =	vld [tilespmem:$0x1360]  }
0x111: {  	v29 =	vld [tilespmem:$0x1170]  }
0x112: {  	v3 =	vadd.f32 v42, v3;
	v42 =	vld [tilespmem:$0x1FCA0]  }
0x113: {  	[tilespmem:$0x1C60] =	vst v16;
	v16 =	vld [tilespmem:$0x15D0]  }
0x114: {  	[tilespmem:$0x1FE70] =	vst v63;
	v63 =	vld [tilespmem:$0x1300]  }
0x115: {  	v62 =	vadd.f32 v61, v5;
	v61 =	vld [tilespmem:$0x1FD70]  }
0x116: {  	v13 =	vadd.f32 v17, v13;
	v17 =	vld [tilespmem:$0x15B0]  }
0x117: {  	[tilespmem:$0x1FFF0] =	vst v1;
	v1 =	vadd.f32 v53, v31;
	v31 =	vld [tilespmem:$0x1770]  }
0x118: {  	v26 =	vadd.f32 v15, v58;
	v58 =	vld [tilespmem:$0x1FD40]  }
0x119: {  	v10 =	vadd.f32 v12, v10;
	[tilespmem:$0x1FEB0] =	vst v63;
	v63 =	vld [tilespmem:$0x1500]  }
0x11a: {  	v38 =	vadd.f32 v28, v27;
	v27 =	vld [tilespmem:$0x17B0]  }
0x11b: {  	v10 =	vadd.f32 v18, v10;
	v18 =	vld [tilespmem:$0x11C0]  }
0x11c: {  	v28 =	vld [tilespmem:$0x1FFA0]  }
0x11d: {  	v3 =	vadd.f32 v45, v3;
	v44 =	vadd.f32 v43, v1;
	v43 =	vld [tilespmem:$0x1FCB0]  }
0x11e: {  	[tilespmem:$0x1FEE0] =	vst v63;
	v63 =	vld [tilespmem:$0x1700]  }
0x11f: {  	v3 =	vadd.f32 v49, v3;
	v49 =	vld [tilespmem:$0x1FCF0]  }
0x120: {  	v1 =	vld [tilespmem:$0x1BB0]  }
0x121: {  	v37 =	vadd.f32 v37, v46;
	v46 =	vld [tilespmem:$0x1580]  }
0x122: {  	v13 =	vadd.f32 v21, v13;
	v21 =	vld [tilespmem:$0x19B0]  }
0x123: {  	[tilespmem:$0x1FF10] =	vst v63;
	v63 =	vld [tilespmem:$0x1900]  }
0x124: {  	v29 =	vadd.f32 v29, v38;
	v38 =	vld [tilespmem:$0x1FF90]  }
0x125: {  	v8 =	vadd.f32 v47, v44;
	v44 =	vld [tilespmem:$0x1FCC0]  }
0x126: {  	v47 =	vld [tilespmem:$0x1FCD0]  }
0x127: {  	v37 =	vadd.f32 v57, v37;
	v57 =	vld [tilespmem:$0x1FDF0]  }
0x128: {  	[tilespmem:$0x1FF30] =	vst v63;
	v63 =	vld [tilespmem:$0x1B10]  }
0x129: {  	v13 =	vadd.f32 v23, v13;
	v23 =	vld [tilespmem:$0xFC0]  }
0x12a: {  	v12 =	vadd.f32 v32, v29;
	v29 =	vld [tilespmem:$0x1FFB0]  }
0x12b: {  	v53 =	vadd.f32 v52, v8;
	v52 =	vadd.f32 v56, v60;
	v56 =	vld [tilespmem:$0x1FD30]  }
0x12c: {  	v8 =	vadd.f32 v59, v3;
	v59 =	vld [tilespmem:$0x1FD50]  }
0x12d: {  	[tilespmem:$0x1FE50] =	vst v63;
	v63 =	vld [tilespmem:$0xF10]  }
0x12e: {  	v60 =	vld [tilespmem:$0x1FD60]  }
0x12f: {  	v15 =	vadd.f32 v49, v48;
	v49 =	vld [tilespmem:$0x1FD90]  }
0x130: {  	v7 =	vadd.f32 v7, v53;
	v53 =	vld [tilespmem:$0x1FD10]  }
0x131: {  	v45 =	vadd.f32 v44, v43;
	v3 =	vadd.f32 v47, v26;
	v26 =	vld [tilespmem:$0x1FD80]  }
0x132: {  	[tilespmem:$0x1FE60] =	vst v63;
	v63 =	vld [tilespmem:$0x1110]  }
0x133: {  	v35 =	vadd.f32 v51, v45;
	v51 =	vld [tilespmem:$0x1FDA0]  }
0x134: {  	v5 =	vadd.f32 v42, v62;
	v42 =	vadd.f32 v56, v52;
	v52 =	vld [tilespmem:$0x1FDB0]  }
0x135: {  	v56 =	vld [tilespmem:$0x1FDE0]  }
0x136: {  	v15 =	vadd.f32 v53, v15;
	v53 =	vld [tilespmem:$0x1FDC0]  }
0x137: {  	[tilespmem:$0x1FEA0] =	vst v63;
	v63 =	vld [tilespmem:$0x1310]  }
0x138: {  	v35 =	vadd.f32 v54, v35;
	v54 =	vld [tilespmem:$0x1FDD0]  }
0x139: {  	v42 =	vadd.f32 v60, v42;
	v15 =	vadd.f32 v58, v15;
	v58 =	vld [tilespmem:$0x1FE00]  }
0x13a: {  	v37 =	vadd.f32 v26, v37;
	v35 =	vadd.f32 v59, v35;
	v59 =	vld [tilespmem:$0x1FE10]  }
0x13b: {  	v42 =	vadd.f32 v51, v42;
	v26 =	vld [tilespmem:$0x1FE40]  }
0x13c: {  	v37 =	vadd.f32 v53, v37;
	[tilespmem:$0x1FED0] =	vst v63;
	v63 =	vld [tilespmem:$0x1510]  }
0x13d: {  	v42 =	vadd.f32 v56, v42;
	v60 =	vld [tilespmem:$0x1FE20]  }
0x13e: {  	v62 =	vadd.f32 v61, v15;
	v37 =	vadd.f32 v58, v37;
	v61 =	vld [tilespmem:$0x1FE30]  }
0x13f: {  	v42 =	vadd.f32 v59, v42;
	v59 =	vld [tilespmem:$0x1FE70]  }
0x140: {  	v48 =	vadd.f32 v52, v62;
	v37 =	vadd.f32 v26, v37;
	v26 =	vld [tilespmem:$0x1FEB0]  }
0x141: {  	[tilespmem:$0x1FF00] =	vst v63;
	v63 =	vld [tilespmem:$0x1710]  }
0x142: {  	v48 =	vadd.f32 v57, v48;
	v57 =	vld [tilespmem:$0x1FE50]  }
0x143: {  	v35 =	vadd.f32 v49, v35;
	v62 =	vadd.f32 v61, v60;
	v58 =	vld [tilespmem:$0x1FE60]  }
0x144: {  	v10 =	vadd.f32 v11, v10;
	v32 =	vld [tilespmem:$0x1FFC0]  }
0x145: {  	v35 =	vadd.f32 v54, v35;
	v54 =	vadd.f32 v59, v62;
	v62 =	vld [tilespmem:$0x1FEA0]  }
0x146: {  	[tilespmem:$0x1FF20] =	vst v63;
	v63 =	vld [tilespmem:$0x1910]  }
0x147: {  	v25 =	vadd.f32 v30, v25;
	v10 =	vadd.f32 v14, v10;
	v14 =	vld [tilespmem:$0x19C0]  }
0x148: {  	v54 =	vadd.f32 v26, v54;
	v26 =	vld [tilespmem:$0x1FEE0];
	v57 =	vadd.f32 v58, v57  }
0x149: {  	v25 =	vadd.f32 v28, v25;
	v28 =	vld [tilespmem:$0x11D0]  }
0x14a: {  	v57 =	vadd.f32 v62, v57;
	v62 =	vld [tilespmem:$0x1FED0]  }
0x14b: {  	[tilespmem:$0x1FF50] =	vst v63;
	v63 =	vld [tilespmem:$0x1B20]  }
0x14c: {  	v13 =	vadd.f32 v19, v13;
	v19 =	vld [tilespmem:$0x13C0]  }
0x14d: {  	v54 =	vadd.f32 v26, v54;
	v26 =	vld [tilespmem:$0x1FF00]  }
0x14e: {  	v30 =	vadd.f32 v33, v12;
	v12 =	vld [tilespmem:$0x15C0]  }
0x14f: {  	v33 =	vld [tilespmem:$0x1FFD0]  }
0x150: {  	v57 =	vadd.f32 v62, v57;
	[tilespmem:$0x1FE80] =	vst v63;
	v63 =	vld [tilespmem:$0xF20]  }
0x151: {  	[tilespmem:$0x1C00] =	vst v38;
	v38 =	vld [tilespmem:$0x1FFE0]  }
0x152: {  	v57 =	vadd.f32 v26, v57;
	v26 =	vld [tilespmem:$0x1FF10]  }
0x153: {  	v43 =	vld [tilespmem:$0xF80]  }
0x154: {  	v44 =	vld [tilespmem:$0x1180]  }
0x155: {  	[tilespmem:$0x1FE90] =	vst v63;
	v63 =	vld [tilespmem:$0x1120]  }
0x156: {  	v47 =	vld [tilespmem:$0x1780]  }
0x157: {  	v54 =	vadd.f32 v26, v54;
	v26 =	vld [tilespmem:$0x1FF20]  }
0x158: {  	v60 =	vld [tilespmem:$0x1FE80]  }
0x159: {  	v61 =	vld [tilespmem:$0x1FE90]  }
0x15a: {  	[tilespmem:$0x1FEC0] =	vst v63;
	v63 =	vld [tilespmem:$0x1320]  }
0x15b: {  	v13 =	vadd.f32 v20, v13;
	v20 =	vld [tilespmem:$0x17C0]  }
0x15c: {  	[tilespmem:$0x1C10] =	vst v29;
	v29 =	vld [tilespmem:$0x13D0]  }
0x15d: {  	v45 =	vld [tilespmem:$0x1380]  }
0x15e: {  	v59 =	vadd.f32 v61, v60;
	v61 =	vld [tilespmem:$0x1FEC0]  }
0x15f: {  	v57 =	vadd.f32 v26, v57;
	v26 =	vld [tilespmem:$0x1FF30];
	[tilespmem:$0x1FEF0] =	vst v63  }
0x160: {  	v62 =	vld [tilespmem:$0x1FEF0]  }
0x161: {  	v11 =	vadd.f32 v31, v30;
	v4 =	vadd.f32 v4, v13;
	v13 =	vld [tilespmem:$0x1BD0]  }
0x162: {  	v63 =	vld [tilespmem:$0x1520]  }
0x163: {  	[tilespmem:$0x1C50] =	vst v6;
	v6 =	vadd.f32 v36, v11;
	v36 =	vld [tilespmem:$0x1BE0];
	v59 =	vadd.f32 v61, v59  }
0x164: {  	v54 =	vadd.f32 v26, v54;
	v26 =	vld [tilespmem:$0x1FF40]  }
0x165: {  	[tilespmem:$0x1C30] =	vst v38;
	v38 =	vld [tilespmem:$0xFE0];
	v39 =	vadd.f32 v43, v39;
	v59 =	vadd.f32 v62, v59  }
0x166: {  	v51 =	vld [tilespmem:$0xF90]  }
0x167: {  	[tilespmem:$0x1C40] =	vst v9;
	v9 =	vadd.f32 v44, v39;
	v39 =	vld [tilespmem:$0x1BF0];
	v59 =	vadd.f32 v63, v59  }
0x168: {  	v15 =	vld [tilespmem:$0x1980]  }
0x169: {  	v59 =	vadd.f32 v26, v59;
	v26 =	vld [tilespmem:$0x1FF50]  }
0x16a: {  	v1 =	vadd.f32 v55, v1;
	v49 =	vld [tilespmem:$0x1B90]  }
0x16b: {  	v53 =	vld [tilespmem:$0x1390]  }
0x16c: {  	v1 =	vadd.f32 v50, v1;
	v56 =	vld [tilespmem:$0x1590]  }
0x16d: {  	v61 =	vld [tilespmem:$0xFA0]  }
0x16e: {  	v1 =	vadd.f32 v34, v1;
	v57 =	vadd.f32 v26, v57;
	v26 =	vld [tilespmem:$0x1FF60]  }
0x16f: {  	v52 =	vld [tilespmem:$0x1190]  }
0x170: {  	v1 =	vadd.f32 v17, v1;
	v43 =	vadd.f32 v51, v49;
	v49 =	vld [tilespmem:$0x1FFF0]  }
0x171: {  	[tilespmem:$0x1CA0] =	vst v5;
	v51 =	vadd.f32 v45, v9;
	v45 =	vld [tilespmem:$0x13F0]  }
0x172: {  	[tilespmem:$0x1D50] =	vst v10;
	v1 =	vadd.f32 v27, v1;
	v62 =	vld [tilespmem:$0x13A0]  }
0x173: {  	[tilespmem:$0x1C80] =	vst v8;
	v44 =	vadd.f32 v61, v41;
	v59 =	vadd.f32 v26, v59;
	v26 =	vld [tilespmem:$0x1FF70]  }
0x174: {  	[tilespmem:$0x1C20] =	vst v32;
	v25 =	vadd.f32 v33, v25;
	v11 =	vadd.f32 v52, v43;
	v58 =	vld [tilespmem:$0x1790]  }
0x175: {  	[tilespmem:$0x1C90] =	vst v7;
	v1 =	vadd.f32 v21, v1;
	v60 =	vld [tilespmem:$0x1990];
	v52 =	vadd.f32 v24, v44  }
0x176: {  	[tilespmem:$0x1CB0] =	vst v3;
	v7 =	vadd.f32 v38, v36;
	v55 =	vadd.f32 v53, v11;
	v63 =	vld [tilespmem:$0x17A0]  }
0x177: {  	[tilespmem:$0x1D60] =	vst v4;
	v30 =	vadd.f32 v46, v51;
	v41 =	vld [tilespmem:$0x11E0];
	v31 =	vadd.f32 v62, v52  }
0x178: {  	[tilespmem:$0x1D70] =	vst v6;
	v33 =	vadd.f32 v56, v55;
	v0 =	vadd.f32 v26, v0;
	v26 =	vld [tilespmem:$0xFD0]  }
0x179: {  	[tilespmem:$0x1D40] =	vst v25;
	v5 =	vadd.f32 v47, v30;
	v8 =	vadd.f32 v40, v31;
	v40 =	vld [tilespmem:$0xFF0]  }
0x17a: {  	[tilespmem:$0x1CE0] =	vst v42;
	v42 =	vadd.f32 v23, v22;
	v3 =	vadd.f32 v58, v33;
	v44 =	vld [tilespmem:$0x13E0]  }
0x17b: {  	[tilespmem:$0x1DB0] =	vst v1;
	v43 =	vld [tilespmem:$0x11F0];
	v5 =	vadd.f32 v15, v5;
	v8 =	vadd.f32 v63, v8  }
0x17c: {  	[tilespmem:$0x1CD0] =	vst v48;
	v48 =	vld [tilespmem:$0x15E0];
	v3 =	vadd.f32 v60, v3;
	v7 =	vadd.f32 v41, v7  }
0x17d: {  	[tilespmem:$0x1CC0] =	vst v35;
	v51 =	vld [tilespmem:$0x17E0];
	v2 =	vadd.f32 v2, v8;
	v13 =	vadd.f32 v26, v13  }
0x17e: {  	[tilespmem:$0x1C70] =	vst v49;
	v49 =	vld [tilespmem:$0x15F0];
	v8 =	vadd.f32 v18, v42;
	v47 =	vadd.f32 v40, v39  }
0x17f: {  	[tilespmem:$0x1CF0] =	vst v37;
	v55 =	vld [tilespmem:$0x19E0];
	v7 =	vadd.f32 v44, v7;
	v46 =	vadd.f32 v28, v13  }
0x180: {  	[tilespmem:$0x1D80] =	vst v5;
	v61 =	vld [tilespmem:$0x17D0];
	v8 =	vadd.f32 v19, v8;
	v50 =	vadd.f32 v43, v47  }
0x181: {  	v53 =	vld [tilespmem:$0x17F0];
	v56 =	vadd.f32 v48, v7;
	[tilespmem:$0x1D30] =	vst v0;
	v0 =	vadd.f32 v29, v46  }
0x182: {  	v32 =	vld [tilespmem:$0x19D0];
	[tilespmem:$0x1D00] =	vst v54;
	v52 =	vadd.f32 v12, v8;
	v54 =	vadd.f32 v45, v50  }
0x183: {  	[tilespmem:$0x1D10] =	vst v57;
	v57 =	vld [tilespmem:$0x19F0];
	v60 =	vadd.f32 v51, v56;
	v0 =	vadd.f32 v16, v0  }
0x184: {  	[tilespmem:$0x1D90] =	vst v3;
	v4 =	vadd.f32 v20, v52;
	v58 =	vadd.f32 v49, v54  }
0x185: {  	[tilespmem:$0x1DA0] =	vst v2;
	v62 =	vadd.f32 v55, v60;
	v0 =	vadd.f32 v61, v0  }
0x186: {  	[tilespmem:$0x1D20] =	vst v59;
	v59 =	vadd.f32 v14, v4;
	v61 =	vadd.f32 v53, v58  }
0x187: {  	[tilespmem:$0x1DE0] =	vst v62;
	v0 =	vadd.f32 v32, v0  }
0x188: {  	[tilespmem:$0x1DC0] =	vst v59;
	v63 =	vadd.f32 v57, v61  }
0x189: {  	p0 =	sne.s32 s13, $0x1;
	[tilespmem:$0x1DD0] =	vst v0  }
.Ltmp0:
0x18a: {  	[tilespmem:$0x1DF0] =	vst v63;
	(pc) =	sbr.rel @p0 .LBB2_1-.Ltmp0, $4  }
0x18b: {  	[hbm4b:s12+s3] =	stream.linear.scatter [tilespmem:s30], [sflag:$0x3], $0x200, $0x38;
	[tilespmem:$0x1E00] =	vst v63  }
0x18c: {  	_ =	swait.ge [sflag:s31], $0x200  }
0x18d: {  	[sflag:s31] =	ssyncset.done $0x0  }
0x18e: {  	s13 =	sadd.s32 $0xFFFFFFFF, s13;
	[sflag:s31] =	ssyncadd.s32 $0xFFFFFE00  }
0x18f: {  	_ =	sfence.sel $0x180000  }
0x190: {  	[bflag:$0x0] =	sbarrier.arrive $0xFFFF  }
0x191: {  	p0 =	sne.s32 s2, $0x0;
	_ =	strace $0x90000047  }
0x192: {  	s0 =	sadd.s32 @!p0 $0x100000, s0;
	[bflag:$0x2] =	sbarrier.arrive $0xFFFF  }
0x193: {  	[sflag:s0] =	ssyncadd.tile.s32 @!p0 $0x1;
	_ =	shalt  }
.Lfunc_end2:
_tile_overlayer_lowered:
.L_overlay_start_2:
0x194: {  	(tag) =	ssettag $0x2  }
0x195: {  	s0 =	rddreg [dreg:$0x0];
	s2 =	stileid.u32  }
0x196: {  	s1 =	rddreg [dreg:$0x1];
	p0 =	sne.s32 s2, $0x0  }
0x197: {  	s3 =	rddreg [dreg:$0x2];
	[bflag:$0x3] =	sbarrier.arrive $0xFFFF;
	s2 =	simm.s32 @!p0 $0x1C03  }
0x198: {  	[timem:s3], [sflag:s2] =	dma.local @!p0 [hbm:s0], s1  }
0x199: {  	s0 =	simm.s32 @!p0 $0x3  }
0x19a: {  	_ =	swait.ge @!p0 [sflag:s0], s1  }
0x19b: {  	s1 =	ssub.s32 @!p0 $0x0, s1;
	[sflag:s0] =	ssyncset.done @!p0 $0x0  }
0x19c: {  	[sflag:s0] =	ssyncadd.s32 @!p0 s1  }
0x19d: {  	[bflag:$0x3] =	sbarrier.arrive $0xFFFF  }
0x19e: {  	_ =	shalt  }

</sc_bundles>
